<compile_context>
chip_gen: v7x
topology: tpu7x:2x2x1
jax: 0.10.2.dev20260603
libtpu: 0.0.44.dev20260713+nightly
codegen_flags: <defaults>
</compile_context>

<pallas_src>
import functools

import jax
import jax.numpy as jnp
from jax import lax
from jax.experimental import pallas as pl
from jax.experimental.pallas import tpu as pltpu
from jax.experimental.pallas import tpu_sc as plsc

_T = 512
_F = 512
_LANES = 16


def _router_body(x_ref, gw_ref, woh_ref, sel_ref):
    n_exp = gw_ref.shape[0]
    scores = lax.dot_general(x_ref[...], gw_ref[...], (((1,), (1,)), ((), ())),
                             preferred_element_type=jnp.float32)
    ids = lax.broadcasted_iota(jnp.int32, scores.shape, 1)
    m1 = jnp.max(scores, axis=-1, keepdims=True)
    i1 = jnp.min(jnp.where(scores == m1, ids, n_exp), axis=-1, keepdims=True)
    s2 = jnp.where(ids == i1, -jnp.inf, scores)
    m2 = jnp.max(s2, axis=-1, keepdims=True)
    i2 = jnp.min(jnp.where(s2 == m2, ids, n_exp), axis=-1, keepdims=True)
    w1 = 1.0 / (1.0 + jnp.exp(m2 - m1))
    woh_ref[...] = jnp.where(ids == i1, w1,
                             jnp.where(ids == i2, 1.0 - w1, 0.0))
    sel_ref[...] = jnp.where((ids == i1) | (ids == i2), 1, 0)


def _router(xf, gate_w):
    ntok, dim = xf.shape
    n_exp = gate_w.shape[0]
    tb = min(512, ntok)
    return pl.pallas_call(
        _router_body,
        grid=(ntok // tb,),
        in_specs=[
            pl.BlockSpec((tb, dim), lambda t: (t, 0)),
            pl.BlockSpec((n_exp, dim), lambda t: (0, 0)),
        ],
        out_specs=[
            pl.BlockSpec((tb, n_exp), lambda t: (t, 0)),
            pl.BlockSpec((tb, n_exp), lambda t: (t, 0)),
        ],
        out_shape=[
            jax.ShapeDtypeStruct((ntok, n_exp), jnp.float32),
            jax.ShapeDtypeStruct((ntok, n_exp), jnp.int32),
        ],
    )(xf, gate_w)


def _sc_gather(xf, idx, total):
    _, dim = xf.shape
    nw = 32
    ch = 16
    rpw = total // nw
    nch = rpw // ch
    mesh = plsc.VectorSubcoreMesh(core_axis_name="c", subcore_axis_name="s")

    @functools.partial(
        pl.kernel, mesh=mesh,
        out_type=jax.ShapeDtypeStruct((total, dim), jnp.float32),
        scratch_types=[
            pltpu.VMEM((rpw,), jnp.int32),
            pltpu.VMEM((ch, dim), jnp.float32),
            pltpu.VMEM((ch, dim), jnp.float32),
            pltpu.SemaphoreType.DMA,
            pltpu.SemaphoreType.DMA,
        ],
    )
    def gk(idx_hbm, x_hbm, out_hbm, idx_v, rows_a, rows_b, sem_a, sem_b):
        wid = lax.axis_index("s") * 2 + lax.axis_index("c")
        base = wid * rpw
        pltpu.sync_copy(idx_hbm.at[pl.ds(base, rpw)], idx_v)

        def start(c, buf, sem):
            cc = jnp.minimum(c, nch - 1)
            return pltpu.async_copy(
                x_hbm.at[idx_v.at[pl.ds(cc * ch, ch)]], buf, sem)

        start(0, rows_a, sem_a)

        def body(i, carry):
            c0 = i * 2
            start(c0 + 1, rows_b, sem_b)
            pltpu.make_async_copy(
                x_hbm.at[idx_v.at[pl.ds(0, ch)]], rows_a, sem_a).wait()
            pltpu.sync_copy(rows_a, out_hbm.at[pl.ds(base + c0 * ch, ch)])
            start(c0 + 2, rows_a, sem_a)
            pltpu.make_async_copy(
                x_hbm.at[idx_v.at[pl.ds(0, ch)]], rows_b, sem_b).wait()
            pltpu.sync_copy(rows_b, out_hbm.at[pl.ds(base + (c0 + 1) * ch, ch)])
            return carry

        lax.fori_loop(0, nch // 2, body, 0)
        pltpu.make_async_copy(
            x_hbm.at[idx_v.at[pl.ds(0, ch)]], rows_a, sem_a).wait()

    return gk(idx, xf)


def _sc_combine(yr, p0, p1, ntok):
    _, dim = yr.shape
    nw = 32
    ch = 16
    tpw = ntok // nw
    nch = tpw // ch
    nv = dim // _LANES
    mesh = plsc.VectorSubcoreMesh(core_axis_name="c", subcore_axis_name="s")

    @functools.partial(
        pl.kernel, mesh=mesh,
        out_type=jax.ShapeDtypeStruct((ntok, dim), jnp.float32),
        scratch_types=[
            pltpu.VMEM((ch,), jnp.int32),
            pltpu.VMEM((ch,), jnp.int32),
            pltpu.VMEM((ch, dim), jnp.float32),
            pltpu.VMEM((ch, dim), jnp.float32),
            pltpu.SemaphoreType.DMA,
            pltpu.SemaphoreType.DMA,
        ],
    )
    def ck(p0_hbm, p1_hbm, yr_hbm, out_hbm, i0_v, i1_v, b0, b1, s0, s1):
        wid = lax.axis_index("s") * 2 + lax.axis_index("c")
        base = wid * tpw

        def chunk(c, carry):
            b = base + c * ch
            pltpu.sync_copy(p0_hbm.at[pl.ds(b, ch)], i0_v)
            pltpu.sync_copy(p1_hbm.at[pl.ds(b, ch)], i1_v)
            cp0 = pltpu.async_copy(yr_hbm.at[i0_v], b0, s0)
            cp1 = pltpu.async_copy(yr_hbm.at[i1_v], b1, s1)
            cp0.wait()
            cp1.wait()
            for r in range(ch):
                def addcol(cc, cr, r=r):
                    sl = pl.ds(cc * _LANES, _LANES)
                    b0[r, sl] = b0[r, sl] + b1[r, sl]
                    return cr
                lax.fori_loop(0, nv, addcol, 0)
            pltpu.sync_copy(b0, out_hbm.at[pl.ds(b, ch)])
            return carry

        lax.fori_loop(0, nch, chunk, 0)

    return ck(p0, p1, yr)


def _ffn_body(eid_ref, xs_ref, wg_ref, wu_ref, wd_ref, w_ref, yr_ref):
    t = pl.program_id(0)
    f = pl.program_id(1)
    nf = pl.num_programs(1)
    e = eid_ref[t]

    @pl.when(f == 0)
    def _zero():
        yr_ref[...] = jnp.zeros_like(yr_ref)

    @pl.when(e >= 0)
    def _compute():
        xsv = xs_ref[...]
        g = lax.dot_general(xsv, wg_ref[0], (((1,), (1,)), ((), ())),
                            preferred_element_type=jnp.float32)
        u = lax.dot_general(xsv, wu_ref[0], (((1,), (1,)), ((), ())),
                            preferred_element_type=jnp.float32)
        h = g * (1.0 / (1.0 + jnp.exp(-g))) * u
        d = lax.dot_general(h, wd_ref[0], (((1,), (1,)), ((), ())),
                            preferred_element_type=jnp.float32)
        yr_ref[...] += d

    @pl.when((f == nf - 1) & (e >= 0))
    def _scale():
        yr_ref[...] *= w_ref[0]


def _tc_ffn(xs, Wg, Wu, Wd, w3, tile_eid):
    total, dim = xs.shape
    n_exp, dff, _ = Wg.shape
    nt = total // _T
    nf = dff // _F
    gridspec = pltpu.PrefetchScalarGridSpec(
        num_scalar_prefetch=1,
        grid=(nt, nf),
        in_specs=[
            pl.BlockSpec((_T, dim), lambda t, f, eid: (t, 0)),
            pl.BlockSpec((1, _F, dim),
                         lambda t, f, eid: (jnp.maximum(eid[t], 0),
                                            jnp.where(eid[t] < 0, 0, f), 0)),
            pl.BlockSpec((1, _F, dim),
                         lambda t, f, eid: (jnp.maximum(eid[t], 0),
                                            jnp.where(eid[t] < 0, 0, f), 0)),
            pl.BlockSpec((1, dim, _F),
                         lambda t, f, eid: (jnp.maximum(eid[t], 0), 0,
                                            jnp.where(eid[t] < 0, 0, f))),
            pl.BlockSpec((1, _T, 1), lambda t, f, eid: (t, 0, 0)),
        ],
        out_specs=pl.BlockSpec((_T, dim), lambda t, f, eid: (t, 0)),
    )
    return pl.pallas_call(
        _ffn_body,
        grid_spec=gridspec,
        out_shape=jax.ShapeDtypeStruct((total, dim), jnp.float32),
        compiler_params=pltpu.CompilerParams(
            vmem_limit_bytes=100 * 1024 * 1024),
    )(tile_eid, xs, Wg, Wu, Wd, w3)


def kernel(x, gate_w, Wg, Wu, Wd):
    orig_shape = x.shape
    xf = x.reshape(-1, x.shape[-1])
    ntok, dim = xf.shape
    n_exp = gate_w.shape[0]
    topk = 2
    n_assign = ntok * topk
    nt = n_assign // _T + n_exp
    total = nt * _T

    woh, sel = _router(xf, gate_w)

    selb = sel > 0
    ranks = jnp.cumsum(sel, axis=0) - sel
    cnt = jnp.sum(sel, axis=0)
    pad_cnt = ((cnt + _T - 1) // _T) * _T
    seg_end = jnp.cumsum(pad_cnt)
    off = seg_end - pad_cnt
    pos = off[None, :] + ranks
    posd = jnp.where(selb, pos, total).astype(jnp.int32).reshape(-1)
    tok_ids = jnp.broadcast_to(
        jnp.arange(ntok, dtype=jnp.int32)[:, None], (ntok, n_exp)).reshape(-1)
    tok_sorted = jnp.zeros((total + 8,), jnp.int32).at[posd].set(tok_ids)[:total]
    w_sorted = jnp.zeros((total + 8,), jnp.float32).at[posd].set(
        woh.reshape(-1))[:total]
    tile_start = jnp.arange(nt, dtype=jnp.int32) * _T
    eid = jnp.sum((tile_start[:, None] >= seg_end[None, :]).astype(jnp.int32),
                  axis=1)
    tile_eid = jnp.where(tile_start < seg_end[-1], eid, -1).astype(jnp.int32)
    big = jnp.int32(1 << 30)
    pm = jnp.where(selb, pos, big)
    p0 = jnp.min(pm, axis=1).astype(jnp.int32)
    p1 = (jnp.sum(jnp.where(selb, pos, 0), axis=1)
          - jnp.min(pm, axis=1)).astype(jnp.int32)

    xs = _sc_gather(xf, tok_sorted, total)
    yr = _tc_ffn(xs, Wg, Wu, Wd, w_sorted.reshape(nt, _T, 1), tile_eid)
    y = _sc_combine(yr, p0, p1, ntok)
    return y.reshape(orig_shape)

# --- scband reference (transcript-rebuilt; emitter-appended) ---
"""Pipeline reference for scband-mo-e-9775345565757 (READ-ONLY COPY).

The authoritative reference and input builder live on the scoring server;
editing this copy changes nothing except your own understanding.
"""

import jax, jax.numpy as jnp
import numpy as np

E = 8
TOP_K = 2
DIM = 2048
MULT = 4
DFF = DIM * MULT
NTOK = 4096


def setup_inputs(seed: int = 0) -> dict:
    key = jax.random.key(seed)
    ks = jax.random.split(key, 5)
    x = jax.random.normal(ks[0], (NTOK, DIM), dtype=jnp.float32)
    gate_w = jax.random.normal(ks[1], (E, DIM), dtype=jnp.float32) * 0.02
    Wg = jax.random.normal(ks[2], (E, DFF, DIM), dtype=jnp.float32) * 0.02
    Wu = jax.random.normal(ks[3], (E, DFF, DIM), dtype=jnp.float32) * 0.02
    Wd = jax.random.normal(ks[4], (E, DIM, DFF), dtype=jnp.float32) * 0.02
    return {"x": x, "gate_w": gate_w, "Wg": Wg, "Wu": Wu, "Wd": Wd}


def reference(x, gate_w, Wg, Wu, Wd):
    orig_shape = x.shape
    xf = x.reshape(-1, x.shape[-1])
    scores = xf @ gate_w.T
    expert_weights, expert_indices = jax.lax.top_k(scores, TOP_K)
    expert_weights = jax.nn.softmax(expert_weights, axis=-1)
    flat_expert_indices = expert_indices.reshape(-1)
    xr = jnp.repeat(xf, TOP_K, axis=0)
    y = jnp.zeros_like(xr)
    for i in range(E):
        gate_output = jax.nn.silu(xr @ Wg[i].T)
        up_output = xr @ Wu[i].T
        down_output = (gate_output * up_output) @ Wd[i].T
        mask = (flat_expert_indices == i)[:, None]
        y = jnp.where(mask, down_output, y)
    y = (y.reshape(expert_weights.shape[0], TOP_K, -1) * expert_weights[..., None]).sum(axis=1)
    return y.reshape(orig_shape)

if __name__ == "__main__":
    import jax
    _d = setup_inputs()
    print(jax.jit(kernel)(*tuple(_d.values())))

</pallas_src>

<mosaic_0001>
#map = affine_map<(d0, d1) -> (0)>
#map1 = affine_map<(d0, d1) -> (0, 0)>
module attributes {stable_mosaic.version = 14 : i64} {
  func.func @gk(%arg0: i32, %arg1: i32, %arg2: memref<12288xi32, #tpu.memory_space<hbm>>, %arg3: memref<4096x2048xf32, #tpu.memory_space<hbm>>, %arg4: memref<12288x2048xf32, #tpu.memory_space<hbm>>, %arg5: memref<384xi32, #tpu.memory_space<vmem>>, %arg6: memref<16x2048xf32, #tpu.memory_space<vmem>>, %arg7: memref<16x2048xf32, #tpu.memory_space<vmem>>, %arg8: memref<!tpu.dma_semaphore, #tpu.memory_space<semaphore_mem>>, %arg9: memref<!tpu.dma_semaphore, #tpu.memory_space<semaphore_mem>>) attributes {dimension_semantics = [#tpu.dimension_semantics<core_parallel>, #tpu.dimension_semantics<subcore_parallel>], iteration_bounds = array<i64: 2, 16>, scalar_prefetch = 0 : i64, scratch_operands = 5 : i64, tpu.core_type = #tpu.core_type<sc_vector_subcore>, window_params = [{transform_indices = #map}, {transform_indices = #map1}, {transform_indices = #map1}]} {
    %mul3A = arith.constant 2 : i32
    %mul3A_0 = arith.muli %arg1, %mul3A : i32
    %add3A = arith.addi %mul3A_0, %arg0 : i32
    %mul3A_1 = arith.constant 384 : i32
    %mul3A_2 = arith.muli %add3A, %mul3A_1 : i32
    "tpu.region"() ({
      %run_scoped3A = tpu.sem_alloc : memref<!tpu.dma_semaphore, #tpu.memory_space<semaphore_mem>>
      %dma_start3A_19 = tpu.memref_slice %arg2[%mul3A_2] : memref<12288xi32, #tpu.memory_space<hbm>> -> memref<384xi32, #tpu.memory_space<hbm>>
      %dma_start3A_20 = tpu.memref_slice %arg2[%mul3A_2] : memref<12288xi32, #tpu.memory_space<hbm>> -> memref<384xi32, #tpu.memory_space<hbm>>
      tpu.enqueue_dma source(%dma_start3A_20 : memref<384xi32, #tpu.memory_space<hbm>>) target(%arg5 : memref<384xi32, #tpu.memory_space<vmem>>) target_semaphore(%run_scoped3A : memref<!tpu.dma_semaphore, #tpu.memory_space<semaphore_mem>>)
      %dma_wait3A_21 = tpu.memref_slice %arg2[%mul3A_2] : memref<12288xi32, #tpu.memory_space<hbm>> -> memref<384xi32, #tpu.memory_space<hbm>>
      %dma_wait3A_22 = tpu.memref_slice %arg2[%mul3A_2] : memref<12288xi32, #tpu.memory_space<hbm>> -> memref<384xi32, #tpu.memory_space<hbm>>
      tpu.wait_dma2 semaphore(%run_scoped3A : memref<!tpu.dma_semaphore, #tpu.memory_space<semaphore_mem>>) src(%dma_wait3A_22 : memref<384xi32, #tpu.memory_space<hbm>>) dst(%arg5 : memref<384xi32, #tpu.memory_space<vmem>>)
      tpu.yield
    }) : () -> ()
    %min3A = arith.constant 0 : i32
    %min3A_3 = arith.constant 23 : i32
    %min3A_4 = arith.minsi %min3A, %min3A_3 : i32
    %mul3A_5 = arith.constant 16 : i32
    %mul3A_6 = arith.muli %min3A_4, %mul3A_5 : i32
    %dma_start3A = tpu.memref_slice %arg5[%mul3A_6] : memref<384xi32, #tpu.memory_space<vmem>> -> memref<16xi32, #tpu.memory_space<vmem>>
    %dma_start3A_7 = arith.constant 0 : i32
    %dma_start3A_8 = arith.constant 0 : i32
    %dma_start3A_9 = tpu.memref_slice %arg3[%dma_start3A_7, %dma_start3A_8] : memref<4096x2048xf32, #tpu.memory_space<hbm>> -> memref<4096x2048xf32, #tpu.memory_space<hbm>>
    tpu.enqueue_indirect_dma source(%dma_start3A_9 : memref<4096x2048xf32, #tpu.memory_space<hbm>>) target(%arg6 : memref<16x2048xf32, #tpu.memory_space<vmem>>) offsets(%dma_start3A : memref<16xi32, #tpu.memory_space<vmem>>) semaphore(%arg8 : memref<!tpu.dma_semaphore, #tpu.memory_space<semaphore_mem>>)
    %scan3A = arith.constant 0 : i32
    %scan3A_10 = arith.constant 0 : i32
    %scan3A_11 = arith.constant 12 : i32
    %scan3A_12 = arith.addi %scan3A_10, %scan3A_11 : i32
    %scan3A_13 = arith.constant 1 : i32
    scf.for %scan3A_19 = %scan3A_10 to %scan3A_12 step %scan3A_13  : i32 {
      %mul3A_20 = arith.constant 2 : i32
      %mul3A_21 = arith.muli %scan3A_19, %mul3A_20 : i32
      %add3A_22 = arith.constant 1 : i32
      %add3A_23 = arith.addi %mul3A_21, %add3A_22 : i32
      %min3A_24 = arith.constant 23 : i32
      %min3A_25 = arith.minsi %add3A_23, %min3A_24 : i32
      %mul3A_26 = arith.constant 16 : i32
      %mul3A_27 = arith.muli %min3A_25, %mul3A_26 : i32
      %dma_start3A_28 = tpu.memref_slice %arg5[%mul3A_27] : memref<384xi32, #tpu.memory_space<vmem>> -> memref<16xi32, #tpu.memory_space<vmem>>
      %dma_start3A_29 = arith.constant 0 : i32
      %dma_start3A_30 = arith.constant 0 : i32
      %dma_start3A_31 = tpu.memref_slice %arg3[%dma_start3A_29, %dma_start3A_30] : memref<4096x2048xf32, #tpu.memory_space<hbm>> -> memref<4096x2048xf32, #tpu.memory_space<hbm>>
      tpu.enqueue_indirect_dma source(%dma_start3A_31 : memref<4096x2048xf32, #tpu.memory_space<hbm>>) target(%arg7 : memref<16x2048xf32, #tpu.memory_space<vmem>>) offsets(%dma_start3A_28 : memref<16xi32, #tpu.memory_space<vmem>>) semaphore(%arg9 : memref<!tpu.dma_semaphore, #tpu.memory_space<semaphore_mem>>)
      %dma_wait3A_32 = arith.constant 0 : i32
      %dma_wait3A_33 = tpu.memref_slice %arg5[%dma_wait3A_32] : memref<384xi32, #tpu.memory_space<vmem>> -> memref<16xi32, #tpu.memory_space<vmem>>
      %dma_wait3A_34 = arith.constant 0 : i32
      %dma_wait3A_35 = arith.constant 0 : i32
      %dma_wait3A_36 = tpu.memref_slice %arg3[%dma_wait3A_34, %dma_wait3A_35] : memref<4096x2048xf32, #tpu.memory_space<hbm>> -> memref<4096x2048xf32, #tpu.memory_space<hbm>>
      tpu.wait_indirect_dma semaphore(%arg8 : memref<!tpu.dma_semaphore, #tpu.memory_space<semaphore_mem>>) src(%dma_wait3A_36 : memref<4096x2048xf32, #tpu.memory_space<hbm>>) dst(%arg6 : memref<16x2048xf32, #tpu.memory_space<vmem>>)
      %mul3A_37 = arith.constant 16 : i32
      %mul3A_38 = arith.muli %mul3A_21, %mul3A_37 : i32
      %add3A_39 = arith.addi %mul3A_2, %mul3A_38 : i32
      "tpu.region"() ({
        %run_scoped3A = tpu.sem_alloc : memref<!tpu.dma_semaphore, #tpu.memory_space<semaphore_mem>>
        %dma_start3A_60 = arith.constant 0 : i32
        %dma_start3A_61 = tpu.memref_slice %arg4[%add3A_39, %dma_start3A_60] : memref<12288x2048xf32, #tpu.memory_space<hbm>> -> memref<16x2048xf32, #tpu.memory_space<hbm>>
        %dma_start3A_62 = arith.constant 0 : i32
        %dma_start3A_63 = tpu.memref_slice %arg4[%add3A_39, %dma_start3A_62] : memref<12288x2048xf32, #tpu.memory_space<hbm>> -> memref<16x2048xf32, #tpu.memory_space<hbm>>
        tpu.enqueue_dma source(%arg6 : memref<16x2048xf32, #tpu.memory_space<vmem>>) target(%dma_start3A_63 : memref<16x2048xf32, #tpu.memory_space<hbm>>) target_semaphore(%run_scoped3A : memref<!tpu.dma_semaphore, #tpu.memory_space<semaphore_mem>>)
        %dma_wait3A_64 = arith.constant 0 : i32
        %dma_wait3A_65 = tpu.memref_slice %arg4[%add3A_39, %dma_wait3A_64] : memref<12288x2048xf32, #tpu.memory_space<hbm>> -> memref<16x2048xf32, #tpu.memory_space<hbm>>
        %dma_wait3A_66 = arith.constant 0 : i32
        %dma_wait3A_67 = tpu.memref_slice %arg4[%add3A_39, %dma_wait3A_66] : memref<12288x2048xf32, #tpu.memory_space<hbm>> -> memref<16x2048xf32, #tpu.memory_space<hbm>>
        tpu.wait_dma2 semaphore(%run_scoped3A : memref<!tpu.dma_semaphore, #tpu.memory_space<semaphore_mem>>) src(%arg6 : memref<16x2048xf32, #tpu.memory_space<vmem>>) dst(%dma_wait3A_67 : memref<16x2048xf32, #tpu.memory_space<hbm>>)
        tpu.yield
      }) : () -> ()
      %add3A_40 = arith.constant 2 : i32
      %add3A_41 = arith.addi %mul3A_21, %add3A_40 : i32
      %min3A_42 = arith.constant 23 : i32
      %min3A_43 = arith.minsi %add3A_41, %min3A_42 : i32
      %mul3A_44 = arith.constant 16 : i32
      %mul3A_45 = arith.muli %min3A_43, %mul3A_44 : i32
      %dma_start3A_46 = tpu.memref_slice %arg5[%mul3A_45] : memref<384xi32, #tpu.memory_space<vmem>> -> memref<16xi32, #tpu.memory_space<vmem>>
      %dma_start3A_47 = arith.constant 0 : i32
      %dma_start3A_48 = arith.constant 0 : i32
      %dma_start3A_49 = tpu.memref_slice %arg3[%dma_start3A_47, %dma_start3A_48] : memref<4096x2048xf32, #tpu.memory_space<hbm>> -> memref<4096x2048xf32, #tpu.memory_space<hbm>>
      tpu.enqueue_indirect_dma source(%dma_start3A_49 : memref<4096x2048xf32, #tpu.memory_space<hbm>>) target(%arg6 : memref<16x2048xf32, #tpu.memory_space<vmem>>) offsets(%dma_start3A_46 : memref<16xi32, #tpu.memory_space<vmem>>) semaphore(%arg8 : memref<!tpu.dma_semaphore, #tpu.memory_space<semaphore_mem>>)
      %dma_wait3A_50 = arith.constant 0 : i32
      %dma_wait3A_51 = tpu.memref_slice %arg5[%dma_wait3A_50] : memref<384xi32, #tpu.memory_space<vmem>> -> memref<16xi32, #tpu.memory_space<vmem>>
      %dma_wait3A_52 = arith.constant 0 : i32
      %dma_wait3A_53 = arith.constant 0 : i32
      %dma_wait3A_54 = tpu.memref_slice %arg3[%dma_wait3A_52, %dma_wait3A_53] : memref<4096x2048xf32, #tpu.memory_space<hbm>> -> memref<4096x2048xf32, #tpu.memory_space<hbm>>
      tpu.wait_indirect_dma semaphore(%arg9 : memref<!tpu.dma_semaphore, #tpu.memory_space<semaphore_mem>>) src(%dma_wait3A_54 : memref<4096x2048xf32, #tpu.memory_space<hbm>>) dst(%arg7 : memref<16x2048xf32, #tpu.memory_space<vmem>>)
      %add3A_55 = arith.constant 1 : i32
      %add3A_56 = arith.addi %mul3A_21, %add3A_55 : i32
      %mul3A_57 = arith.constant 16 : i32
      %mul3A_58 = arith.muli %add3A_56, %mul3A_57 : i32
      %add3A_59 = arith.addi %mul3A_2, %mul3A_58 : i32
      "tpu.region"() ({
        %run_scoped3A = tpu.sem_alloc : memref<!tpu.dma_semaphore, #tpu.memory_space<semaphore_mem>>
        %dma_start3A_60 = arith.constant 0 : i32
        %dma_start3A_61 = tpu.memref_slice %arg4[%add3A_59, %dma_start3A_60] : memref<12288x2048xf32, #tpu.memory_space<hbm>> -> memref<16x2048xf32, #tpu.memory_space<hbm>>
        %dma_start3A_62 = arith.constant 0 : i32
        %dma_start3A_63 = tpu.memref_slice %arg4[%add3A_59, %dma_start3A_62] : memref<12288x2048xf32, #tpu.memory_space<hbm>> -> memref<16x2048xf32, #tpu.memory_space<hbm>>
        tpu.enqueue_dma source(%arg7 : memref<16x2048xf32, #tpu.memory_space<vmem>>) target(%dma_start3A_63 : memref<16x2048xf32, #tpu.memory_space<hbm>>) target_semaphore(%run_scoped3A : memref<!tpu.dma_semaphore, #tpu.memory_space<semaphore_mem>>)
        %dma_wait3A_64 = arith.constant 0 : i32
        %dma_wait3A_65 = tpu.memref_slice %arg4[%add3A_59, %dma_wait3A_64] : memref<12288x2048xf32, #tpu.memory_space<hbm>> -> memref<16x2048xf32, #tpu.memory_space<hbm>>
        %dma_wait3A_66 = arith.constant 0 : i32
        %dma_wait3A_67 = tpu.memref_slice %arg4[%add3A_59, %dma_wait3A_66] : memref<12288x2048xf32, #tpu.memory_space<hbm>> -> memref<16x2048xf32, #tpu.memory_space<hbm>>
        tpu.wait_dma2 semaphore(%run_scoped3A : memref<!tpu.dma_semaphore, #tpu.memory_space<semaphore_mem>>) src(%arg7 : memref<16x2048xf32, #tpu.memory_space<vmem>>) dst(%dma_wait3A_67 : memref<16x2048xf32, #tpu.memory_space<hbm>>)
        tpu.yield
      }) : () -> ()
    }
    %scan3A_14 = arith.constant 12 : i32
    %dma_wait3A = arith.constant 0 : i32
    %dma_wait3A_15 = tpu.memref_slice %arg5[%dma_wait3A] : memref<384xi32, #tpu.memory_space<vmem>> -> memref<16xi32, #tpu.memory_space<vmem>>
    %dma_wait3A_16 = arith.constant 0 : i32
    %dma_wait3A_17 = arith.constant 0 : i32
    %dma_wait3A_18 = tpu.memref_slice %arg3[%dma_wait3A_16, %dma_wait3A_17] : memref<4096x2048xf32, #tpu.memory_space<hbm>> -> memref<4096x2048xf32, #tpu.memory_space<hbm>>
    tpu.wait_indirect_dma semaphore(%arg8 : memref<!tpu.dma_semaphore, #tpu.memory_space<semaphore_mem>>) src(%dma_wait3A_18 : memref<4096x2048xf32, #tpu.memory_space<hbm>>) dst(%arg6 : memref<16x2048xf32, #tpu.memory_space<vmem>>)
    return
  }
}

#map = affine_map<(d0, d1) -> (0)>
#map1 = affine_map<(d0, d1) -> (0, 0)>
module attributes {stable_mosaic.version = 14 : i64} {
  func.func @ck(%arg0: i32, %arg1: i32, %arg2: memref<4096xi32, #tpu.memory_space<hbm>>, %arg3: memref<4096xi32, #tpu.memory_space<hbm>>, %arg4: memref<12288x2048xf32, #tpu.memory_space<hbm>>, %arg5: memref<4096x2048xf32, #tpu.memory_space<hbm>>, %arg6: memref<16xi32, #tpu.memory_space<vmem>>, %arg7: memref<16xi32, #tpu.memory_space<vmem>>, %arg8: memref<16x2048xf32, #tpu.memory_space<vmem>>, %arg9: memref<16x2048xf32, #tpu.memory_space<vmem>>, %arg10: memref<!tpu.dma_semaphore, #tpu.memory_space<semaphore_mem>>, %arg11: memref<!tpu.dma_semaphore, #tpu.memory_space<semaphore_mem>>) attributes {dimension_semantics = [#tpu.dimension_semantics<core_parallel>, #tpu.dimension_semantics<subcore_parallel>], iteration_bounds = array<i64: 2, 16>, scalar_prefetch = 0 : i64, scratch_operands = 6 : i64, tpu.core_type = #tpu.core_type<sc_vector_subcore>, window_params = [{transform_indices = #map}, {transform_indices = #map}, {transform_indices = #map1}, {transform_indices = #map1}]} {
    %mul3A = arith.constant 2 : i32
    %mul3A_0 = arith.muli %arg1, %mul3A : i32
    %add3A = arith.addi %mul3A_0, %arg0 : i32
    %mul3A_1 = arith.constant 128 : i32
    %mul3A_2 = arith.muli %add3A, %mul3A_1 : i32
    %scan3A = arith.constant 0 : i32
    %scan3A_3 = arith.constant 0 : i32
    %scan3A_4 = arith.constant 8 : i32
    %scan3A_5 = arith.addi %scan3A_3, %scan3A_4 : i32
    %scan3A_6 = arith.constant 1 : i32
    scf.for %scan3A_8 = %scan3A_3 to %scan3A_5 step %scan3A_6  : i32 {
      %mul3A_9 = arith.constant 16 : i32
      %mul3A_10 = arith.muli %scan3A_8, %mul3A_9 : i32
      %add3A_11 = arith.addi %mul3A_2, %mul3A_10 : i32
      "tpu.region"() ({
        %run_scoped3A = tpu.sem_alloc : memref<!tpu.dma_semaphore, #tpu.memory_space<semaphore_mem>>
        %dma_start3A_118 = tpu.memref_slice %arg2[%add3A_11] : memref<4096xi32, #tpu.memory_space<hbm>> -> memref<16xi32, #tpu.memory_space<hbm>>
        %dma_start3A_119 = tpu.memref_slice %arg2[%add3A_11] : memref<4096xi32, #tpu.memory_space<hbm>> -> memref<16xi32, #tpu.memory_space<hbm>>
        tpu.enqueue_dma source(%dma_start3A_119 : memref<16xi32, #tpu.memory_space<hbm>>) target(%arg6 : memref<16xi32, #tpu.memory_space<vmem>>) target_semaphore(%run_scoped3A : memref<!tpu.dma_semaphore, #tpu.memory_space<semaphore_mem>>)
        %dma_wait3A_120 = tpu.memref_slice %arg2[%add3A_11] : memref<4096xi32, #tpu.memory_space<hbm>> -> memref<16xi32, #tpu.memory_space<hbm>>
        %dma_wait3A_121 = tpu.memref_slice %arg2[%add3A_11] : memref<4096xi32, #tpu.memory_space<hbm>> -> memref<16xi32, #tpu.memory_space<hbm>>
        tpu.wait_dma2 semaphore(%run_scoped3A : memref<!tpu.dma_semaphore, #tpu.memory_space<semaphore_mem>>) src(%dma_wait3A_121 : memref<16xi32, #tpu.memory_space<hbm>>) dst(%arg6 : memref<16xi32, #tpu.memory_space<vmem>>)
        tpu.yield
      }) : () -> ()
      "tpu.region"() ({
        %run_scoped3A = tpu.sem_alloc : memref<!tpu.dma_semaphore, #tpu.memory_space<semaphore_mem>>
        %dma_start3A_118 = tpu.memref_slice %arg3[%add3A_11] : memref<4096xi32, #tpu.memory_space<hbm>> -> memref<16xi32, #tpu.memory_space<hbm>>
        %dma_start3A_119 = tpu.memref_slice %arg3[%add3A_11] : memref<4096xi32, #tpu.memory_space<hbm>> -> memref<16xi32, #tpu.memory_space<hbm>>
        tpu.enqueue_dma source(%dma_start3A_119 : memref<16xi32, #tpu.memory_space<hbm>>) target(%arg7 : memref<16xi32, #tpu.memory_space<vmem>>) target_semaphore(%run_scoped3A : memref<!tpu.dma_semaphore, #tpu.memory_space<semaphore_mem>>)
        %dma_wait3A_120 = tpu.memref_slice %arg3[%add3A_11] : memref<4096xi32, #tpu.memory_space<hbm>> -> memref<16xi32, #tpu.memory_space<hbm>>
        %dma_wait3A_121 = tpu.memref_slice %arg3[%add3A_11] : memref<4096xi32, #tpu.memory_space<hbm>> -> memref<16xi32, #tpu.memory_space<hbm>>
        tpu.wait_dma2 semaphore(%run_scoped3A : memref<!tpu.dma_semaphore, #tpu.memory_space<semaphore_mem>>) src(%dma_wait3A_121 : memref<16xi32, #tpu.memory_space<hbm>>) dst(%arg7 : memref<16xi32, #tpu.memory_space<vmem>>)
        tpu.yield
      }) : () -> ()
      %dma_start3A = arith.constant 0 : i32
      %dma_start3A_12 = arith.constant 0 : i32
      %dma_start3A_13 = tpu.memref_slice %arg4[%dma_start3A, %dma_start3A_12] : memref<12288x2048xf32, #tpu.memory_space<hbm>> -> memref<12288x2048xf32, #tpu.memory_space<hbm>>
      tpu.enqueue_indirect_dma source(%dma_start3A_13 : memref<12288x2048xf32, #tpu.memory_space<hbm>>) target(%arg8 : memref<16x2048xf32, #tpu.memory_space<vmem>>) offsets(%arg6 : memref<16xi32, #tpu.memory_space<vmem>>) semaphore(%arg10 : memref<!tpu.dma_semaphore, #tpu.memory_space<semaphore_mem>>)
      %dma_start3A_14 = arith.constant 0 : i32
      %dma_start3A_15 = arith.constant 0 : i32
      %dma_start3A_16 = tpu.memref_slice %arg4[%dma_start3A_14, %dma_start3A_15] : memref<12288x2048xf32, #tpu.memory_space<hbm>> -> memref<12288x2048xf32, #tpu.memory_space<hbm>>
      tpu.enqueue_indirect_dma source(%dma_start3A_16 : memref<12288x2048xf32, #tpu.memory_space<hbm>>) target(%arg9 : memref<16x2048xf32, #tpu.memory_space<vmem>>) offsets(%arg7 : memref<16xi32, #tpu.memory_space<vmem>>) semaphore(%arg11 : memref<!tpu.dma_semaphore, #tpu.memory_space<semaphore_mem>>)
      %dma_wait3A = arith.constant 0 : i32
      %dma_wait3A_17 = arith.constant 0 : i32
      %dma_wait3A_18 = tpu.memref_slice %arg4[%dma_wait3A, %dma_wait3A_17] : memref<12288x2048xf32, #tpu.memory_space<hbm>> -> memref<12288x2048xf32, #tpu.memory_space<hbm>>
      tpu.wait_indirect_dma semaphore(%arg10 : memref<!tpu.dma_semaphore, #tpu.memory_space<semaphore_mem>>) src(%dma_wait3A_18 : memref<12288x2048xf32, #tpu.memory_space<hbm>>) dst(%arg8 : memref<16x2048xf32, #tpu.memory_space<vmem>>)
      %dma_wait3A_19 = arith.constant 0 : i32
      %dma_wait3A_20 = arith.constant 0 : i32
      %dma_wait3A_21 = tpu.memref_slice %arg4[%dma_wait3A_19, %dma_wait3A_20] : memref<12288x2048xf32, #tpu.memory_space<hbm>> -> memref<12288x2048xf32, #tpu.memory_space<hbm>>
      tpu.wait_indirect_dma semaphore(%arg11 : memref<!tpu.dma_semaphore, #tpu.memory_space<semaphore_mem>>) src(%dma_wait3A_21 : memref<12288x2048xf32, #tpu.memory_space<hbm>>) dst(%arg9 : memref<16x2048xf32, #tpu.memory_space<vmem>>)
      %scan3A_22 = arith.constant 0 : i32
      %scan3A_23 = arith.constant 0 : i32
      %scan3A_24 = arith.constant 128 : i32
      %scan3A_25 = arith.addi %scan3A_23, %scan3A_24 : i32
      %scan3A_26 = arith.constant 1 : i32
      scf.for %scan3A_118 = %scan3A_23 to %scan3A_25 step %scan3A_26  : i32 {
        %mul3A_119 = arith.constant 16 : i32
        %mul3A_120 = arith.muli %scan3A_118, %mul3A_119 : i32
        %get3A = arith.constant 0 : i32
        %get3A_121 = arith.index_cast %get3A : i32 to index
        %get3A_122 = arith.index_cast %mul3A_120 : i32 to index
        %get3A_123 = tpu.vector_load %arg8[%get3A_121, %get3A_122] {strides = array<i32>} : memref<16x2048xf32, #tpu.memory_space<vmem>>, vector<1x16xf32>,
        %get3A_124 = vector.shape_cast %get3A_123 : vector<1x16xf32> to vector<16xf32>
        %get3A_125 = arith.constant 0 : i32
        %get3A_126 = arith.index_cast %get3A_125 : i32 to index
        %get3A_127 = arith.index_cast %mul3A_120 : i32 to index
        %get3A_128 = tpu.vector_load %arg9[%get3A_126, %get3A_127] {strides = array<i32>} : memref<16x2048xf32, #tpu.memory_space<vmem>>, vector<1x16xf32>,
        %get3A_129 = vector.shape_cast %get3A_128 : vector<1x16xf32> to vector<16xf32>
        %add3A_130 = arith.addf %get3A_124, %get3A_129 : vector<16xf32>
        %swap3A = arith.constant 0 : i32
        %swap3A_131 = arith.index_cast %swap3A : i32 to index
        %swap3A_132 = arith.index_cast %mul3A_120 : i32 to index
        %swap3A_133 = tpu.vector_load %arg8[%swap3A_131, %swap3A_132] {strides = array<i32>} : memref<16x2048xf32, #tpu.memory_space<vmem>>, vector<1x16xf32>,
        %swap3A_134 = vector.shape_cast %swap3A_133 : vector<1x16xf32> to vector<16xf32>
        %swap3A_135 = vector.shape_cast %add3A_130 : vector<16xf32> to vector<1x16xf32>
        tpu.vector_store %arg8[%swap3A_131, %swap3A_132], %swap3A_135 {strides = array<i32>} : memref<16x2048xf32, #tpu.memory_space<vmem>>, vector<1x16xf32>,
      }
      %scan3A_27 = arith.constant 128 : i32
      %scan3A_28 = arith.constant 0 : i32
      %scan3A_29 = arith.constant 0 : i32
      %scan3A_30 = arith.constant 128 : i32
      %scan3A_31 = arith.addi %scan3A_29, %scan3A_30 : i32
      %scan3A_32 = arith.constant 1 : i32
      scf.for %scan3A_118 = %scan3A_29 to %scan3A_31 step %scan3A_32  : i32 {
        %mul3A_119 = arith.constant 16 : i32
        %mul3A_120 = arith.muli %scan3A_118, %mul3A_119 : i32
        %get3A = arith.constant 1 : i32
        %get3A_121 = arith.index_cast %get3A : i32 to index
        %get3A_122 = arith.index_cast %mul3A_120 : i32 to index
        %get3A_123 = tpu.vector_load %arg8[%get3A_121, %get3A_122] {strides = array<i32>} : memref<16x2048xf32, #tpu.memory_space<vmem>>, vector<1x16xf32>,
        %get3A_124 = vector.shape_cast %get3A_123 : vector<1x16xf32> to vector<16xf32>
        %get3A_125 = arith.constant 1 : i32
        %get3A_126 = arith.index_cast %get3A_125 : i32 to index
        %get3A_127 = arith.index_cast %mul3A_120 : i32 to index
        %get3A_128 = tpu.vector_load %arg9[%get3A_126, %get3A_127] {strides = array<i32>} : memref<16x2048xf32, #tpu.memory_space<vmem>>, vector<1x16xf32>,
        %get3A_129 = vector.shape_cast %get3A_128 : vector<1x16xf32> to vector<16xf32>
        %add3A_130 = arith.addf %get3A_124, %get3A_129 : vector<16xf32>
        %swap3A = arith.constant 1 : i32
        %swap3A_131 = arith.index_cast %swap3A : i32 to index
        %swap3A_132 = arith.index_cast %mul3A_120 : i32 to index
        %swap3A_133 = tpu.vector_load %arg8[%swap3A_131, %swap3A_132] {strides = array<i32>} : memref<16x2048xf32, #tpu.memory_space<vmem>>, vector<1x16xf32>,
        %swap3A_134 = vector.shape_cast %swap3A_133 : vector<1x16xf32> to vector<16xf32>
        %swap3A_135 = vector.shape_cast %add3A_130 : vector<16xf32> to vector<1x16xf32>
        tpu.vector_store %arg8[%swap3A_131, %swap3A_132], %swap3A_135 {strides = array<i32>} : memref<16x2048xf32, #tpu.memory_space<vmem>>, vector<1x16xf32>,
      }
      %scan3A_33 = arith.constant 128 : i32
      %scan3A_34 = arith.constant 0 : i32
      %scan3A_35 = arith.constant 0 : i32
      %scan3A_36 = arith.constant 128 : i32
      %scan3A_37 = arith.addi %scan3A_35, %scan3A_36 : i32
      %scan3A_38 = arith.constant 1 : i32
      scf.for %scan3A_118 = %scan3A_35 to %scan3A_37 step %scan3A_38  : i32 {
        %mul3A_119 = arith.constant 16 : i32
        %mul3A_120 = arith.muli %scan3A_118, %mul3A_119 : i32
        %get3A = arith.constant 2 : i32
        %get3A_121 = arith.index_cast %get3A : i32 to index
        %get3A_122 = arith.index_cast %mul3A_120 : i32 to index
        %get3A_123 = tpu.vector_load %arg8[%get3A_121, %get3A_122] {strides = array<i32>} : memref<16x2048xf32, #tpu.memory_space<vmem>>, vector<1x16xf32>,
        %get3A_124 = vector.shape_cast %get3A_123 : vector<1x16xf32> to vector<16xf32>
        %get3A_125 = arith.constant 2 : i32
        %get3A_126 = arith.index_cast %get3A_125 : i32 to index
        %get3A_127 = arith.index_cast %mul3A_120 : i32 to index
        %get3A_128 = tpu.vector_load %arg9[%get3A_126, %get3A_127] {strides = array<i32>} : memref<16x2048xf32, #tpu.memory_space<vmem>>, vector<1x16xf32>,
        %get3A_129 = vector.shape_cast %get3A_128 : vector<1x16xf32> to vector<16xf32>
        %add3A_130 = arith.addf %get3A_124, %get3A_129 : vector<16xf32>
        %swap3A = arith.constant 2 : i32
        %swap3A_131 = arith.index_cast %swap3A : i32 to index
        %swap3A_132 = arith.index_cast %mul3A_120 : i32 to index
        %swap3A_133 = tpu.vector_load %arg8[%swap3A_131, %swap3A_132] {strides = array<i32>} : memref<16x2048xf32, #tpu.memory_space<vmem>>, vector<1x16xf32>,
        %swap3A_134 = vector.shape_cast %swap3A_133 : vector<1x16xf32> to vector<16xf32>
        %swap3A_135 = vector.shape_cast %add3A_130 : vector<16xf32> to vector<1x16xf32>
        tpu.vector_store %arg8[%swap3A_131, %swap3A_132], %swap3A_135 {strides = array<i32>} : memref<16x2048xf32, #tpu.memory_space<vmem>>, vector<1x16xf32>,
      }
      %scan3A_39 = arith.constant 128 : i32
      %scan3A_40 = arith.constant 0 : i32
      %scan3A_41 = arith.constant 0 : i32
      %scan3A_42 = arith.constant 128 : i32
      %scan3A_43 = arith.addi %scan3A_41, %scan3A_42 : i32
      %scan3A_44 = arith.constant 1 : i32
      scf.for %scan3A_118 = %scan3A_41 to %scan3A_43 step %scan3A_44  : i32 {
        %mul3A_119 = arith.constant 16 : i32
        %mul3A_120 = arith.muli %scan3A_118, %mul3A_119 : i32
        %get3A = arith.constant 3 : i32
        %get3A_121 = arith.index_cast %get3A : i32 to index
        %get3A_122 = arith.index_cast %mul3A_120 : i32 to index
        %get3A_123 = tpu.vector_load %arg8[%get3A_121, %get3A_122] {strides = array<i32>} : memref<16x2048xf32, #tpu.memory_space<vmem>>, vector<1x16xf32>,
        %get3A_124 = vector.shape_cast %get3A_123 : vector<1x16xf32> to vector<16xf32>
        %get3A_125 = arith.constant 3 : i32
        %get3A_126 = arith.index_cast %get3A_125 : i32 to index
        %get3A_127 = arith.index_cast %mul3A_120 : i32 to index
        %get3A_128 = tpu.vector_load %arg9[%get3A_126, %get3A_127] {strides = array<i32>} : memref<16x2048xf32, #tpu.memory_space<vmem>>, vector<1x16xf32>,
        %get3A_129 = vector.shape_cast %get3A_128 : vector<1x16xf32> to vector<16xf32>
        %add3A_130 = arith.addf %get3A_124, %get3A_129 : vector<16xf32>
        %swap3A = arith.constant 3 : i32
        %swap3A_131 = arith.index_cast %swap3A : i32 to index
        %swap3A_132 = arith.index_cast %mul3A_120 : i32 to index
        %swap3A_133 = tpu.vector_load %arg8[%swap3A_131, %swap3A_132] {strides = array<i32>} : memref<16x2048xf32, #tpu.memory_space<vmem>>, vector<1x16xf32>,
        %swap3A_134 = vector.shape_cast %swap3A_133 : vector<1x16xf32> to vector<16xf32>
        %swap3A_135 = vector.shape_cast %add3A_130 : vector<16xf32> to vector<1x16xf32>
        tpu.vector_store %arg8[%swap3A_131, %swap3A_132], %swap3A_135 {strides = array<i32>} : memref<16x2048xf32, #tpu.memory_space<vmem>>, vector<1x16xf32>,
      }
      %scan3A_45 = arith.constant 128 : i32
      %scan3A_46 = arith.constant 0 : i32
      %scan3A_47 = arith.constant 0 : i32
      %scan3A_48 = arith.constant 128 : i32
      %scan3A_49 = arith.addi %scan3A_47, %scan3A_48 : i32
      %scan3A_50 = arith.constant 1 : i32
      scf.for %scan3A_118 = %scan3A_47 to %scan3A_49 step %scan3A_50  : i32 {
        %mul3A_119 = arith.constant 16 : i32
        %mul3A_120 = arith.muli %scan3A_118, %mul3A_119 : i32
        %get3A = arith.constant 4 : i32
        %get3A_121 = arith.index_cast %get3A : i32 to index
        %get3A_122 = arith.index_cast %mul3A_120 : i32 to index
        %get3A_123 = tpu.vector_load %arg8[%get3A_121, %get3A_122] {strides = array<i32>} : memref<16x2048xf32, #tpu.memory_space<vmem>>, vector<1x16xf32>,
        %get3A_124 = vector.shape_cast %get3A_123 : vector<1x16xf32> to vector<16xf32>
        %get3A_125 = arith.constant 4 : i32
        %get3A_126 = arith.index_cast %get3A_125 : i32 to index
        %get3A_127 = arith.index_cast %mul3A_120 : i32 to index
        %get3A_128 = tpu.vector_load %arg9[%get3A_126, %get3A_127] {strides = array<i32>} : memref<16x2048xf32, #tpu.memory_space<vmem>>, vector<1x16xf32>,
        %get3A_129 = vector.shape_cast %get3A_128 : vector<1x16xf32> to vector<16xf32>
        %add3A_130 = arith.addf %get3A_124, %get3A_129 : vector<16xf32>
        %swap3A = arith.constant 4 : i32
        %swap3A_131 = arith.index_cast %swap3A : i32 to index
        %swap3A_132 = arith.index_cast %mul3A_120 : i32 to index
        %swap3A_133 = tpu.vector_load %arg8[%swap3A_131, %swap3A_132] {strides = array<i32>} : memref<16x2048xf32, #tpu.memory_space<vmem>>, vector<1x16xf32>,
        %swap3A_134 = vector.shape_cast %swap3A_133 : vector<1x16xf32> to vector<16xf32>
        %swap3A_135 = vector.shape_cast %add3A_130 : vector<16xf32> to vector<1x16xf32>
        tpu.vector_store %arg8[%swap3A_131, %swap3A_132], %swap3A_135 {strides = array<i32>} : memref<16x2048xf32, #tpu.memory_space<vmem>>, vector<1x16xf32>,
      }
      %scan3A_51 = arith.constant 128 : i32
      %scan3A_52 = arith.constant 0 : i32
      %scan3A_53 = arith.constant 0 : i32
      %scan3A_54 = arith.constant 128 : i32
      %scan3A_55 = arith.addi %scan3A_53, %scan3A_54 : i32
      %scan3A_56 = arith.constant 1 : i32
      scf.for %scan3A_118 = %scan3A_53 to %scan3A_55 step %scan3A_56  : i32 {
        %mul3A_119 = arith.constant 16 : i32
        %mul3A_120 = arith.muli %scan3A_118, %mul3A_119 : i32
        %get3A = arith.constant 5 : i32
        %get3A_121 = arith.index_cast %get3A : i32 to index
        %get3A_122 = arith.index_cast %mul3A_120 : i32 to index
        %get3A_123 = tpu.vector_load %arg8[%get3A_121, %get3A_122] {strides = array<i32>} : memref<16x2048xf32, #tpu.memory_space<vmem>>, vector<1x16xf32>,
        %get3A_124 = vector.shape_cast %get3A_123 : vector<1x16xf32> to vector<16xf32>
        %get3A_125 = arith.constant 5 : i32
        %get3A_126 = arith.index_cast %get3A_125 : i32 to index
        %get3A_127 = arith.index_cast %mul3A_120 : i32 to index
        %get3A_128 = tpu.vector_load %arg9[%get3A_126, %get3A_127] {strides = array<i32>} : memref<16x2048xf32, #tpu.memory_space<vmem>>, vector<1x16xf32>,
        %get3A_129 = vector.shape_cast %get3A_128 : vector<1x16xf32> to vector<16xf32>
        %add3A_130 = arith.addf %get3A_124, %get3A_129 : vector<16xf32>
        %swap3A = arith.constant 5 : i32
        %swap3A_131 = arith.index_cast %swap3A : i32 to index
        %swap3A_132 = arith.index_cast %mul3A_120 : i32 to index
        %swap3A_133 = tpu.vector_load %arg8[%swap3A_131, %swap3A_132] {strides = array<i32>} : memref<16x2048xf32, #tpu.memory_space<vmem>>, vector<1x16xf32>,
        %swap3A_134 = vector.shape_cast %swap3A_133 : vector<1x16xf32> to vector<16xf32>
        %swap3A_135 = vector.shape_cast %add3A_130 : vector<16xf32> to vector<1x16xf32>
        tpu.vector_store %arg8[%swap3A_131, %swap3A_132], %swap3A_135 {strides = array<i32>} : memref<16x2048xf32, #tpu.memory_space<vmem>>, vector<1x16xf32>,
      }
      %scan3A_57 = arith.constant 128 : i32
      %scan3A_58 = arith.constant 0 : i32
      %scan3A_59 = arith.constant 0 : i32
      %scan3A_60 = arith.constant 128 : i32
      %scan3A_61 = arith.addi %scan3A_59, %scan3A_60 : i32
      %scan3A_62 = arith.constant 1 : i32
      scf.for %scan3A_118 = %scan3A_59 to %scan3A_61 step %scan3A_62  : i32 {
        %mul3A_119 = arith.constant 16 : i32
        %mul3A_120 = arith.muli %scan3A_118, %mul3A_119 : i32
        %get3A = arith.constant 6 : i32
        %get3A_121 = arith.index_cast %get3A : i32 to index
        %get3A_122 = arith.index_cast %mul3A_120 : i32 to index
        %get3A_123 = tpu.vector_load %arg8[%get3A_121, %get3A_122] {strides = array<i32>} : memref<16x2048xf32, #tpu.memory_space<vmem>>, vector<1x16xf32>,
        %get3A_124 = vector.shape_cast %get3A_123 : vector<1x16xf32> to vector<16xf32>
        %get3A_125 = arith.constant 6 : i32
        %get3A_126 = arith.index_cast %get3A_125 : i32 to index
        %get3A_127 = arith.index_cast %mul3A_120 : i32 to index
        %get3A_128 = tpu.vector_load %arg9[%get3A_126, %get3A_127] {strides = array<i32>} : memref<16x2048xf32, #tpu.memory_space<vmem>>, vector<1x16xf32>,
        %get3A_129 = vector.shape_cast %get3A_128 : vector<1x16xf32> to vector<16xf32>
        %add3A_130 = arith.addf %get3A_124, %get3A_129 : vector<16xf32>
        %swap3A = arith.constant 6 : i32
        %swap3A_131 = arith.index_cast %swap3A : i32 to index
        %swap3A_132 = arith.index_cast %mul3A_120 : i32 to index
        %swap3A_133 = tpu.vector_load %arg8[%swap3A_131, %swap3A_132] {strides = array<i32>} : memref<16x2048xf32, #tpu.memory_space<vmem>>, vector<1x16xf32>,
        %swap3A_134 = vector.shape_cast %swap3A_133 : vector<1x16xf32> to vector<16xf32>
        %swap3A_135 = vector.shape_cast %add3A_130 : vector<16xf32> to vector<1x16xf32>
        tpu.vector_store %arg8[%swap3A_131, %swap3A_132], %swap3A_135 {strides = array<i32>} : memref<16x2048xf32, #tpu.memory_space<vmem>>, vector<1x16xf32>,
      }
      %scan3A_63 = arith.constant 128 : i32
      %scan3A_64 = arith.constant 0 : i32
      %scan3A_65 = arith.constant 0 : i32
      %scan3A_66 = arith.constant 128 : i32
      %scan3A_67 = arith.addi %scan3A_65, %scan3A_66 : i32
      %scan3A_68 = arith.constant 1 : i32
      scf.for %scan3A_118 = %scan3A_65 to %scan3A_67 step %scan3A_68  : i32 {
        %mul3A_119 = arith.constant 16 : i32
        %mul3A_120 = arith.muli %scan3A_118, %mul3A_119 : i32
        %get3A = arith.constant 7 : i32
        %get3A_121 = arith.index_cast %get3A : i32 to index
        %get3A_122 = arith.index_cast %mul3A_120 : i32 to index
        %get3A_123 = tpu.vector_load %arg8[%get3A_121, %get3A_122] {strides = array<i32>} : memref<16x2048xf32, #tpu.memory_space<vmem>>, vector<1x16xf32>,
        %get3A_124 = vector.shape_cast %get3A_123 : vector<1x16xf32> to vector<16xf32>
        %get3A_125 = arith.constant 7 : i32
        %get3A_126 = arith.index_cast %get3A_125 : i32 to index
        %get3A_127 = arith.index_cast %mul3A_120 : i32 to index
        %get3A_128 = tpu.vector_load %arg9[%get3A_126, %get3A_127] {strides = array<i32>} : memref<16x2048xf32, #tpu.memory_space<vmem>>, vector<1x16xf32>,
        %get3A_129 = vector.shape_cast %get3A_128 : vector<1x16xf32> to vector<16xf32>
        %add3A_130 = arith.addf %get3A_124, %get3A_129 : vector<16xf32>
        %swap3A = arith.constant 7 : i32
        %swap3A_131 = arith.index_cast %swap3A : i32 to index
        %swap3A_132 = arith.index_cast %mul3A_120 : i32 to index
        %swap3A_133 = tpu.vector_load %arg8[%swap3A_131, %swap3A_132] {strides = array<i32>} : memref<16x2048xf32, #tpu.memory_space<vmem>>, vector<1x16xf32>,
        %swap3A_134 = vector.shape_cast %swap3A_133 : vector<1x16xf32> to vector<16xf32>
        %swap3A_135 = vector.shape_cast %add3A_130 : vector<16xf32> to vector<1x16xf32>
        tpu.vector_store %arg8[%swap3A_131, %swap3A_132], %swap3A_135 {strides = array<i32>} : memref<16x2048xf32, #tpu.memory_space<vmem>>, vector<1x16xf32>,
      }
      %scan3A_69 = arith.constant 128 : i32
      %scan3A_70 = arith.constant 0 : i32
      %scan3A_71 = arith.constant 0 : i32
      %scan3A_72 = arith.constant 128 : i32
      %scan3A_73 = arith.addi %scan3A_71, %scan3A_72 : i32
      %scan3A_74 = arith.constant 1 : i32
      scf.for %scan3A_118 = %scan3A_71 to %scan3A_73 step %scan3A_74  : i32 {
        %mul3A_119 = arith.constant 16 : i32
        %mul3A_120 = arith.muli %scan3A_118, %mul3A_119 : i32
        %get3A = arith.constant 8 : i32
        %get3A_121 = arith.index_cast %get3A : i32 to index
        %get3A_122 = arith.index_cast %mul3A_120 : i32 to index
        %get3A_123 = tpu.vector_load %arg8[%get3A_121, %get3A_122] {strides = array<i32>} : memref<16x2048xf32, #tpu.memory_space<vmem>>, vector<1x16xf32>,
        %get3A_124 = vector.shape_cast %get3A_123 : vector<1x16xf32> to vector<16xf32>
        %get3A_125 = arith.constant 8 : i32
        %get3A_126 = arith.index_cast %get3A_125 : i32 to index
        %get3A_127 = arith.index_cast %mul3A_120 : i32 to index
        %get3A_128 = tpu.vector_load %arg9[%get3A_126, %get3A_127] {strides = array<i32>} : memref<16x2048xf32, #tpu.memory_space<vmem>>, vector<1x16xf32>,
        %get3A_129 = vector.shape_cast %get3A_128 : vector<1x16xf32> to vector<16xf32>
        %add3A_130 = arith.addf %get3A_124, %get3A_129 : vector<16xf32>
        %swap3A = arith.constant 8 : i32
        %swap3A_131 = arith.index_cast %swap3A : i32 to index
        %swap3A_132 = arith.index_cast %mul3A_120 : i32 to index
        %swap3A_133 = tpu.vector_load %arg8[%swap3A_131, %swap3A_132] {strides = array<i32>} : memref<16x2048xf32, #tpu.memory_space<vmem>>, vector<1x16xf32>,
        %swap3A_134 = vector.shape_cast %swap3A_133 : vector<1x16xf32> to vector<16xf32>
        %swap3A_135 = vector.shape_cast %add3A_130 : vector<16xf32> to vector<1x16xf32>
        tpu.vector_store %arg8[%swap3A_131, %swap3A_132], %swap3A_135 {strides = array<i32>} : memref<16x2048xf32, #tpu.memory_space<vmem>>, vector<1x16xf32>,
      }
      %scan3A_75 = arith.constant 128 : i32
      %scan3A_76 = arith.constant 0 : i32
      %scan3A_77 = arith.constant 0 : i32
      %scan3A_78 = arith.constant 128 : i32
      %scan3A_79 = arith.addi %scan3A_77, %scan3A_78 : i32
      %scan3A_80 = arith.constant 1 : i32
      scf.for %scan3A_118 = %scan3A_77 to %scan3A_79 step %scan3A_80  : i32 {
        %mul3A_119 = arith.constant 16 : i32
        %mul3A_120 = arith.muli %scan3A_118, %mul3A_119 : i32
        %get3A = arith.constant 9 : i32
        %get3A_121 = arith.index_cast %get3A : i32 to index
        %get3A_122 = arith.index_cast %mul3A_120 : i32 to index
        %get3A_123 = tpu.vector_load %arg8[%get3A_121, %get3A_122] {strides = array<i32>} : memref<16x2048xf32, #tpu.memory_space<vmem>>, vector<1x16xf32>,
        %get3A_124 = vector.shape_cast %get3A_123 : vector<1x16xf32> to vector<16xf32>
        %get3A_125 = arith.constant 9 : i32
        %get3A_126 = arith.index_cast %get3A_125 : i32 to index
        %get3A_127 = arith.index_cast %mul3A_120 : i32 to index
        %get3A_128 = tpu.vector_load %arg9[%get3A_126, %get3A_127] {strides = array<i32>} : memref<16x2048xf32, #tpu.memory_space<vmem>>, vector<1x16xf32>,
        %get3A_129 = vector.shape_cast %get3A_128 : vector<1x16xf32> to vector<16xf32>
        %add3A_130 = arith.addf %get3A_124, %get3A_129 : vector<16xf32>
        %swap3A = arith.constant 9 : i32
        %swap3A_131 = arith.index_cast %swap3A : i32 to index
        %swap3A_132 = arith.index_cast %mul3A_120 : i32 to index
        %swap3A_133 = tpu.vector_load %arg8[%swap3A_131, %swap3A_132] {strides = array<i32>} : memref<16x2048xf32, #tpu.memory_space<vmem>>, vector<1x16xf32>,
        %swap3A_134 = vector.shape_cast %swap3A_133 : vector<1x16xf32> to vector<16xf32>
        %swap3A_135 = vector.shape_cast %add3A_130 : vector<16xf32> to vector<1x16xf32>
        tpu.vector_store %arg8[%swap3A_131, %swap3A_132], %swap3A_135 {strides = array<i32>} : memref<16x2048xf32, #tpu.memory_space<vmem>>, vector<1x16xf32>,
      }
      %scan3A_81 = arith.constant 128 : i32
      %scan3A_82 = arith.constant 0 : i32
      %scan3A_83 = arith.constant 0 : i32
      %scan3A_84 = arith.constant 128 : i32
      %scan3A_85 = arith.addi %scan3A_83, %scan3A_84 : i32
      %scan3A_86 = arith.constant 1 : i32
      scf.for %scan3A_118 = %scan3A_83 to %scan3A_85 step %scan3A_86  : i32 {
        %mul3A_119 = arith.constant 16 : i32
        %mul3A_120 = arith.muli %scan3A_118, %mul3A_119 : i32
        %get3A = arith.constant 10 : i32
        %get3A_121 = arith.index_cast %get3A : i32 to index
        %get3A_122 = arith.index_cast %mul3A_120 : i32 to index
        %get3A_123 = tpu.vector_load %arg8[%get3A_121, %get3A_122] {strides = array<i32>} : memref<16x2048xf32, #tpu.memory_space<vmem>>, vector<1x16xf32>,
        %get3A_124 = vector.shape_cast %get3A_123 : vector<1x16xf32> to vector<16xf32>
        %get3A_125 = arith.constant 10 : i32
        %get3A_126 = arith.index_cast %get3A_125 : i32 to index
        %get3A_127 = arith.index_cast %mul3A_120 : i32 to index
        %get3A_128 = tpu.vector_load %arg9[%get3A_126, %get3A_127] {strides = array<i32>} : memref<16x2048xf32, #tpu.memory_space<vmem>>, vector<1x16xf32>,
        %get3A_129 = vector.shape_cast %get3A_128 : vector<1x16xf32> to vector<16xf32>
        %add3A_130 = arith.addf %get3A_124, %get3A_129 : vector<16xf32>
        %swap3A = arith.constant 10 : i32
        %swap3A_131 = arith.index_cast %swap3A : i32 to index
        %swap3A_132 = arith.index_cast %mul3A_120 : i32 to index
        %swap3A_133 = tpu.vector_load %arg8[%swap3A_131, %swap3A_132] {strides = array<i32>} : memref<16x2048xf32, #tpu.memory_space<vmem>>, vector<1x16xf32>,
        %swap3A_134 = vector.shape_cast %swap3A_133 : vector<1x16xf32> to vector<16xf32>
        %swap3A_135 = vector.shape_cast %add3A_130 : vector<16xf32> to vector<1x16xf32>
        tpu.vector_store %arg8[%swap3A_131, %swap3A_132], %swap3A_135 {strides = array<i32>} : memref<16x2048xf32, #tpu.memory_space<vmem>>, vector<1x16xf32>,
      }
      %scan3A_87 = arith.constant 128 : i32
      %scan3A_88 = arith.constant 0 : i32
      %scan3A_89 = arith.constant 0 : i32
      %scan3A_90 = arith.constant 128 : i32
      %scan3A_91 = arith.addi %scan3A_89, %scan3A_90 : i32
      %scan3A_92 = arith.constant 1 : i32
      scf.for %scan3A_118 = %scan3A_89 to %scan3A_91 step %scan3A_92  : i32 {
        %mul3A_119 = arith.constant 16 : i32
        %mul3A_120 = arith.muli %scan3A_118, %mul3A_119 : i32
        %get3A = arith.constant 11 : i32
        %get3A_121 = arith.index_cast %get3A : i32 to index
        %get3A_122 = arith.index_cast %mul3A_120 : i32 to index
        %get3A_123 = tpu.vector_load %arg8[%get3A_121, %get3A_122] {strides = array<i32>} : memref<16x2048xf32, #tpu.memory_space<vmem>>, vector<1x16xf32>,
        %get3A_124 = vector.shape_cast %get3A_123 : vector<1x16xf32> to vector<16xf32>
        %get3A_125 = arith.constant 11 : i32
        %get3A_126 = arith.index_cast %get3A_125 : i32 to index
        %get3A_127 = arith.index_cast %mul3A_120 : i32 to index
        %get3A_128 = tpu.vector_load %arg9[%get3A_126, %get3A_127] {strides = array<i32>} : memref<16x2048xf32, #tpu.memory_space<vmem>>, vector<1x16xf32>,
        %get3A_129 = vector.shape_cast %get3A_128 : vector<1x16xf32> to vector<16xf32>
        %add3A_130 = arith.addf %get3A_124, %get3A_129 : vector<16xf32>
        %swap3A = arith.constant 11 : i32
        %swap3A_131 = arith.index_cast %swap3A : i32 to index
        %swap3A_132 = arith.index_cast %mul3A_120 : i32 to index
        %swap3A_133 = tpu.vector_load %arg8[%swap3A_131, %swap3A_132] {strides = array<i32>} : memref<16x2048xf32, #tpu.memory_space<vmem>>, vector<1x16xf32>,
        %swap3A_134 = vector.shape_cast %swap3A_133 : vector<1x16xf32> to vector<16xf32>
        %swap3A_135 = vector.shape_cast %add3A_130 : vector<16xf32> to vector<1x16xf32>
        tpu.vector_store %arg8[%swap3A_131, %swap3A_132], %swap3A_135 {strides = array<i32>} : memref<16x2048xf32, #tpu.memory_space<vmem>>, vector<1x16xf32>,
      }
      %scan3A_93 = arith.constant 128 : i32
      %scan3A_94 = arith.constant 0 : i32
      %scan3A_95 = arith.constant 0 : i32
      %scan3A_96 = arith.constant 128 : i32
      %scan3A_97 = arith.addi %scan3A_95, %scan3A_96 : i32
      %scan3A_98 = arith.constant 1 : i32
      scf.for %scan3A_118 = %scan3A_95 to %scan3A_97 step %scan3A_98  : i32 {
        %mul3A_119 = arith.constant 16 : i32
        %mul3A_120 = arith.muli %scan3A_118, %mul3A_119 : i32
        %get3A = arith.constant 12 : i32
        %get3A_121 = arith.index_cast %get3A : i32 to index
        %get3A_122 = arith.index_cast %mul3A_120 : i32 to index
        %get3A_123 = tpu.vector_load %arg8[%get3A_121, %get3A_122] {strides = array<i32>} : memref<16x2048xf32, #tpu.memory_space<vmem>>, vector<1x16xf32>,
        %get3A_124 = vector.shape_cast %get3A_123 : vector<1x16xf32> to vector<16xf32>
        %get3A_125 = arith.constant 12 : i32
        %get3A_126 = arith.index_cast %get3A_125 : i32 to index
        %get3A_127 = arith.index_cast %mul3A_120 : i32 to index
        %get3A_128 = tpu.vector_load %arg9[%get3A_126, %get3A_127] {strides = array<i32>} : memref<16x2048xf32, #tpu.memory_space<vmem>>, vector<1x16xf32>,
        %get3A_129 = vector.shape_cast %get3A_128 : vector<1x16xf32> to vector<16xf32>
        %add3A_130 = arith.addf %get3A_124, %get3A_129 : vector<16xf32>
        %swap3A = arith.constant 12 : i32
        %swap3A_131 = arith.index_cast %swap3A : i32 to index
        %swap3A_132 = arith.index_cast %mul3A_120 : i32 to index
        %swap3A_133 = tpu.vector_load %arg8[%swap3A_131, %swap3A_132] {strides = array<i32>} : memref<16x2048xf32, #tpu.memory_space<vmem>>, vector<1x16xf32>,
        %swap3A_134 = vector.shape_cast %swap3A_133 : vector<1x16xf32> to vector<16xf32>
        %swap3A_135 = vector.shape_cast %add3A_130 : vector<16xf32> to vector<1x16xf32>
        tpu.vector_store %arg8[%swap3A_131, %swap3A_132], %swap3A_135 {strides = array<i32>} : memref<16x2048xf32, #tpu.memory_space<vmem>>, vector<1x16xf32>,
      }
      %scan3A_99 = arith.constant 128 : i32
      %scan3A_100 = arith.constant 0 : i32
      %scan3A_101 = arith.constant 0 : i32
      %scan3A_102 = arith.constant 128 : i32
      %scan3A_103 = arith.addi %scan3A_101, %scan3A_102 : i32
      %scan3A_104 = arith.constant 1 : i32
      scf.for %scan3A_118 = %scan3A_101 to %scan3A_103 step %scan3A_104  : i32 {
        %mul3A_119 = arith.constant 16 : i32
        %mul3A_120 = arith.muli %scan3A_118, %mul3A_119 : i32
        %get3A = arith.constant 13 : i32
        %get3A_121 = arith.index_cast %get3A : i32 to index
        %get3A_122 = arith.index_cast %mul3A_120 : i32 to index
        %get3A_123 = tpu.vector_load %arg8[%get3A_121, %get3A_122] {strides = array<i32>} : memref<16x2048xf32, #tpu.memory_space<vmem>>, vector<1x16xf32>,
        %get3A_124 = vector.shape_cast %get3A_123 : vector<1x16xf32> to vector<16xf32>
        %get3A_125 = arith.constant 13 : i32
        %get3A_126 = arith.index_cast %get3A_125 : i32 to index
        %get3A_127 = arith.index_cast %mul3A_120 : i32 to index
        %get3A_128 = tpu.vector_load %arg9[%get3A_126, %get3A_127] {strides = array<i32>} : memref<16x2048xf32, #tpu.memory_space<vmem>>, vector<1x16xf32>,
        %get3A_129 = vector.shape_cast %get3A_128 : vector<1x16xf32> to vector<16xf32>
        %add3A_130 = arith.addf %get3A_124, %get3A_129 : vector<16xf32>
        %swap3A = arith.constant 13 : i32
        %swap3A_131 = arith.index_cast %swap3A : i32 to index
        %swap3A_132 = arith.index_cast %mul3A_120 : i32 to index
        %swap3A_133 = tpu.vector_load %arg8[%swap3A_131, %swap3A_132] {strides = array<i32>} : memref<16x2048xf32, #tpu.memory_space<vmem>>, vector<1x16xf32>,
        %swap3A_134 = vector.shape_cast %swap3A_133 : vector<1x16xf32> to vector<16xf32>
        %swap3A_135 = vector.shape_cast %add3A_130 : vector<16xf32> to vector<1x16xf32>
        tpu.vector_store %arg8[%swap3A_131, %swap3A_132], %swap3A_135 {strides = array<i32>} : memref<16x2048xf32, #tpu.memory_space<vmem>>, vector<1x16xf32>,
      }
      %scan3A_105 = arith.constant 128 : i32
      %scan3A_106 = arith.constant 0 : i32
      %scan3A_107 = arith.constant 0 : i32
      %scan3A_108 = arith.constant 128 : i32
      %scan3A_109 = arith.addi %scan3A_107, %scan3A_108 : i32
      %scan3A_110 = arith.constant 1 : i32
      scf.for %scan3A_118 = %scan3A_107 to %scan3A_109 step %scan3A_110  : i32 {
        %mul3A_119 = arith.constant 16 : i32
        %mul3A_120 = arith.muli %scan3A_118, %mul3A_119 : i32
        %get3A = arith.constant 14 : i32
        %get3A_121 = arith.index_cast %get3A : i32 to index
        %get3A_122 = arith.index_cast %mul3A_120 : i32 to index
        %get3A_123 = tpu.vector_load %arg8[%get3A_121, %get3A_122] {strides = array<i32>} : memref<16x2048xf32, #tpu.memory_space<vmem>>, vector<1x16xf32>,
        %get3A_124 = vector.shape_cast %get3A_123 : vector<1x16xf32> to vector<16xf32>
        %get3A_125 = arith.constant 14 : i32
        %get3A_126 = arith.index_cast %get3A_125 : i32 to index
        %get3A_127 = arith.index_cast %mul3A_120 : i32 to index
        %get3A_128 = tpu.vector_load %arg9[%get3A_126, %get3A_127] {strides = array<i32>} : memref<16x2048xf32, #tpu.memory_space<vmem>>, vector<1x16xf32>,
        %get3A_129 = vector.shape_cast %get3A_128 : vector<1x16xf32> to vector<16xf32>
        %add3A_130 = arith.addf %get3A_124, %get3A_129 : vector<16xf32>
        %swap3A = arith.constant 14 : i32
        %swap3A_131 = arith.index_cast %swap3A : i32 to index
        %swap3A_132 = arith.index_cast %mul3A_120 : i32 to index
        %swap3A_133 = tpu.vector_load %arg8[%swap3A_131, %swap3A_132] {strides = array<i32>} : memref<16x2048xf32, #tpu.memory_space<vmem>>, vector<1x16xf32>,
        %swap3A_134 = vector.shape_cast %swap3A_133 : vector<1x16xf32> to vector<16xf32>
        %swap3A_135 = vector.shape_cast %add3A_130 : vector<16xf32> to vector<1x16xf32>
        tpu.vector_store %arg8[%swap3A_131, %swap3A_132], %swap3A_135 {strides = array<i32>} : memref<16x2048xf32, #tpu.memory_space<vmem>>, vector<1x16xf32>,
      }
      %scan3A_111 = arith.constant 128 : i32
      %scan3A_112 = arith.constant 0 : i32
      %scan3A_113 = arith.constant 0 : i32
      %scan3A_114 = arith.constant 128 : i32
      %scan3A_115 = arith.addi %scan3A_113, %scan3A_114 : i32
      %scan3A_116 = arith.constant 1 : i32
      scf.for %scan3A_118 = %scan3A_113 to %scan3A_115 step %scan3A_116  : i32 {
        %mul3A_119 = arith.constant 16 : i32
        %mul3A_120 = arith.muli %scan3A_118, %mul3A_119 : i32
        %get3A = arith.constant 15 : i32
        %get3A_121 = arith.index_cast %get3A : i32 to index
        %get3A_122 = arith.index_cast %mul3A_120 : i32 to index
        %get3A_123 = tpu.vector_load %arg8[%get3A_121, %get3A_122] {strides = array<i32>} : memref<16x2048xf32, #tpu.memory_space<vmem>>, vector<1x16xf32>,
        %get3A_124 = vector.shape_cast %get3A_123 : vector<1x16xf32> to vector<16xf32>
        %get3A_125 = arith.constant 15 : i32
        %get3A_126 = arith.index_cast %get3A_125 : i32 to index
        %get3A_127 = arith.index_cast %mul3A_120 : i32 to index
        %get3A_128 = tpu.vector_load %arg9[%get3A_126, %get3A_127] {strides = array<i32>} : memref<16x2048xf32, #tpu.memory_space<vmem>>, vector<1x16xf32>,
        %get3A_129 = vector.shape_cast %get3A_128 : vector<1x16xf32> to vector<16xf32>
        %add3A_130 = arith.addf %get3A_124, %get3A_129 : vector<16xf32>
        %swap3A = arith.constant 15 : i32
        %swap3A_131 = arith.index_cast %swap3A : i32 to index
        %swap3A_132 = arith.index_cast %mul3A_120 : i32 to index
        %swap3A_133 = tpu.vector_load %arg8[%swap3A_131, %swap3A_132] {strides = array<i32>} : memref<16x2048xf32, #tpu.memory_space<vmem>>, vector<1x16xf32>,
        %swap3A_134 = vector.shape_cast %swap3A_133 : vector<1x16xf32> to vector<16xf32>
        %swap3A_135 = vector.shape_cast %add3A_130 : vector<16xf32> to vector<1x16xf32>
        tpu.vector_store %arg8[%swap3A_131, %swap3A_132], %swap3A_135 {strides = array<i32>} : memref<16x2048xf32, #tpu.memory_space<vmem>>, vector<1x16xf32>,
      }
      %scan3A_117 = arith.constant 128 : i32
      "tpu.region"() ({
        %run_scoped3A = tpu.sem_alloc : memref<!tpu.dma_semaphore, #tpu.memory_space<semaphore_mem>>
        %dma_start3A_118 = arith.constant 0 : i32
        %dma_start3A_119 = tpu.memref_slice %arg5[%add3A_11, %dma_start3A_118] : memref<4096x2048xf32, #tpu.memory_space<hbm>> -> memref<16x2048xf32, #tpu.memory_space<hbm>>
        %dma_start3A_120 = arith.constant 0 : i32
        %dma_start3A_121 = tpu.memref_slice %arg5[%add3A_11, %dma_start3A_120] : memref<4096x2048xf32, #tpu.memory_space<hbm>> -> memref<16x2048xf32, #tpu.memory_space<hbm>>
        tpu.enqueue_dma source(%arg8 : memref<16x2048xf32, #tpu.memory_space<vmem>>) target(%dma_start3A_121 : memref<16x2048xf32, #tpu.memory_space<hbm>>) target_semaphore(%run_scoped3A : memref<!tpu.dma_semaphore, #tpu.memory_space<semaphore_mem>>)
        %dma_wait3A_122 = arith.constant 0 : i32
        %dma_wait3A_123 = tpu.memref_slice %arg5[%add3A_11, %dma_wait3A_122] : memref<4096x2048xf32, #tpu.memory_space<hbm>> -> memref<16x2048xf32, #tpu.memory_space<hbm>>
        %dma_wait3A_124 = arith.constant 0 : i32
        %dma_wait3A_125 = tpu.memref_slice %arg5[%add3A_11, %dma_wait3A_124] : memref<4096x2048xf32, #tpu.memory_space<hbm>> -> memref<16x2048xf32, #tpu.memory_space<hbm>>
        tpu.wait_dma2 semaphore(%run_scoped3A : memref<!tpu.dma_semaphore, #tpu.memory_space<semaphore_mem>>) src(%arg8 : memref<16x2048xf32, #tpu.memory_space<vmem>>) dst(%dma_wait3A_125 : memref<16x2048xf32, #tpu.memory_space<hbm>>)
        tpu.yield
      }) : () -> ()
    }
    %scan3A_7 = arith.constant 8 : i32
    return
  }
}

module attributes {stable_mosaic.version = 14 : i64} {
  func.func @_router_body(%arg0: i32, %arg1: memref<512x2048xf32, #tpu.memory_space<vmem>>, %arg2: memref<8x2048xf32, #tpu.memory_space<vmem>>, %arg3: memref<512x8xf32, #tpu.memory_space<vmem>>, %arg4: memref<512x8xi32, #tpu.memory_space<vmem>>) attributes {dimension_semantics = [#tpu.dimension_semantics<arbitrary>], iteration_bounds = array<i64: 8>, scalar_prefetch = 0 : i64, scratch_operands = 0 : i64, tpu.core_type = #tpu.core_type<tc>, window_params = [{transform_indices = @transform_0, window_bounds = array<i64: 512, 2048>}, {pipeline_mode = #tpu.pipeline_mode<synchronous>, transform_indices = @transform_1, window_bounds = array<i64: 8, 2048>}, {transform_indices = @transform_2, window_bounds = array<i64: 512, 8>}, {transform_indices = @transform_3, window_bounds = array<i64: 512, 8>}]} {
    %get3A = arith.constant 0 : index
    %get3A_0 = arith.constant 0 : index
    %get3A_1 = vector.load %arg1[%get3A, %get3A_0] : memref<512x2048xf32, #tpu.memory_space<vmem>>, vector<512x2048xf32>
    %get3A_2 = arith.constant 0 : index
    %get3A_3 = arith.constant 0 : index
    %get3A_4 = vector.load %arg2[%get3A_2, %get3A_3] : memref<8x2048xf32, #tpu.memory_space<vmem>>, vector<8x2048xf32>
    %dot_general3A = arith.constant dense<0.000000e+00> : vector<512x8xf32>
    %dot_general3A_5 = tpu.matmul %get3A_1, %get3A_4, %dot_general3A {dimension_numbers = #tpu.dot_dimension_numbers<[1], [1], [0], [0], [0, 0, 1, 0], [], []>, transpose_lhs_hint = false} : vector<512x2048xf32>, vector<8x2048xf32>, vector<512x8xf32> -> vector<512x8xf32>
    %iota3A = tpu.iota {dimensions = array<i32: 1>} : vector<512x8xi32>
    %reduce_max3A = arith.constant dense<0xFF800000> : vector<512xf32>
    %reduce_max3A_6 = vector.multi_reduction <maximumf>, %dot_general3A_5, %reduce_max3A [1] : vector<512x8xf32> to vector<512xf32>
    %broadcast_in_dim3A = vector.shape_cast %reduce_max3A_6 : vector<512xf32> to vector<512x1xf32>
    %eq3A = vector.broadcast %broadcast_in_dim3A : vector<512x1xf32> to vector<512x8xf32>
    %eq3A_7 = arith.cmpf oeq, %dot_general3A_5, %eq3A : vector<512x8xf32>
    %jit3A = arith.constant 8 : i32
    %broadcast_in_dim3A_8 = vector.broadcast %jit3A : i32 to vector<512x8xi32>
    %select_n3A = arith.select %eq3A_7, %iota3A, %broadcast_in_dim3A_8 : vector<512x8xi1>, vector<512x8xi32>
    %reduce_min3A = arith.constant dense<2147483647> : vector<512xi32>
    %reduce_min3A_9 = vector.multi_reduction <minsi>, %select_n3A, %reduce_min3A [1] : vector<512x8xi32> to vector<512xi32>
    %broadcast_in_dim3A_10 = vector.shape_cast %reduce_min3A_9 : vector<512xi32> to vector<512x1xi32>
    %eq3A_11 = vector.broadcast %broadcast_in_dim3A_10 : vector<512x1xi32> to vector<512x8xi32>
    %eq3A_12 = arith.cmpi eq, %iota3A, %eq3A_11 : vector<512x8xi32>
    %jit3A_13 = arith.constant 0xFF800000 : f32
    %broadcast_in_dim3A_14 = vector.broadcast %jit3A_13 : f32 to vector<512x8xf32>
    %select_n3A_15 = arith.select %eq3A_12, %broadcast_in_dim3A_14, %dot_general3A_5 : vector<512x8xi1>, vector<512x8xf32>
    %reduce_max3A_16 = arith.constant dense<0xFF800000> : vector<512xf32>
    %reduce_max3A_17 = vector.multi_reduction <maximumf>, %select_n3A_15, %reduce_max3A_16 [1] : vector<512x8xf32> to vector<512xf32>
    %broadcast_in_dim3A_18 = vector.shape_cast %reduce_max3A_17 : vector<512xf32> to vector<512x1xf32>
    %eq3A_19 = vector.broadcast %broadcast_in_dim3A_18 : vector<512x1xf32> to vector<512x8xf32>
    %eq3A_20 = arith.cmpf oeq, %select_n3A_15, %eq3A_19 : vector<512x8xf32>
    %jit3A_21 = arith.constant 8 : i32
    %broadcast_in_dim3A_22 = vector.broadcast %jit3A_21 : i32 to vector<512x8xi32>
    %select_n3A_23 = arith.select %eq3A_20, %iota3A, %broadcast_in_dim3A_22 : vector<512x8xi1>, vector<512x8xi32>
    %reduce_min3A_24 = arith.constant dense<2147483647> : vector<512xi32>
    %reduce_min3A_25 = vector.multi_reduction <minsi>, %select_n3A_23, %reduce_min3A_24 [1] : vector<512x8xi32> to vector<512xi32>
    %broadcast_in_dim3A_26 = vector.shape_cast %reduce_min3A_25 : vector<512xi32> to vector<512x1xi32>
    %sub3A = arith.subf %broadcast_in_dim3A_18, %broadcast_in_dim3A : vector<512x1xf32>
    %exp3A = math.exp %sub3A : vector<512x1xf32>
    %add3A = arith.constant 1.000000e+00 : f32
    %add3A_27 = vector.broadcast %add3A : f32 to vector<512x1xf32>
    %add3A_28 = arith.addf %add3A_27, %exp3A : vector<512x1xf32>
    %div3A = arith.constant 1.000000e+00 : f32
    %div3A_29 = vector.broadcast %div3A : f32 to vector<512x1xf32>
    %div3A_30 = arith.divf %div3A_29, %add3A_28 : vector<512x1xf32>
    %eq3A_31 = vector.broadcast %broadcast_in_dim3A_10 : vector<512x1xi32> to vector<512x8xi32>
    %eq3A_32 = arith.cmpi eq, %iota3A, %eq3A_31 : vector<512x8xi32>
    %eq3A_33 = vector.broadcast %broadcast_in_dim3A_26 : vector<512x1xi32> to vector<512x8xi32>
    %eq3A_34 = arith.cmpi eq, %iota3A, %eq3A_33 : vector<512x8xi32>
    %sub3A_35 = arith.constant 1.000000e+00 : f32
    %sub3A_36 = vector.broadcast %sub3A_35 : f32 to vector<512x1xf32>
    %sub3A_37 = arith.subf %sub3A_36, %div3A_30 : vector<512x1xf32>
    %jit3A_38 = arith.constant 0.000000e+00 : f32
    %broadcast_in_dim3A_39 = vector.shape_cast %sub3A_37 : vector<512x1xf32> to vector<512x1xf32>
    %broadcast_in_dim3A_40 = vector.broadcast %broadcast_in_dim3A_39 : vector<512x1xf32> to vector<512x8xf32>
    %broadcast_in_dim3A_41 = vector.broadcast %jit3A_38 : f32 to vector<512x8xf32>
    %select_n3A_42 = arith.select %eq3A_34, %broadcast_in_dim3A_40, %broadcast_in_dim3A_41 : vector<512x8xi1>, vector<512x8xf32>
    %broadcast_in_dim3A_43 = vector.shape_cast %div3A_30 : vector<512x1xf32> to vector<512x1xf32>
    %broadcast_in_dim3A_44 = vector.broadcast %broadcast_in_dim3A_43 : vector<512x1xf32> to vector<512x8xf32>
    %select_n3A_45 = arith.select %eq3A_32, %broadcast_in_dim3A_44, %select_n3A_42 : vector<512x8xi1>, vector<512x8xf32>
    %swap3A = arith.constant 0 : index
    %swap3A_46 = arith.constant 0 : index
    %swap3A_47 = vector.load %arg3[%swap3A, %swap3A_46] : memref<512x8xf32, #tpu.memory_space<vmem>>, vector<512x8xf32>
    tpu.vector_store %arg3[%swap3A, %swap3A_46], %select_n3A_45 {strides = array<i32>} : memref<512x8xf32, #tpu.memory_space<vmem>>, vector<512x8xf32>,
    %eq3A_48 = vector.broadcast %broadcast_in_dim3A_10 : vector<512x1xi32> to vector<512x8xi32>
    %eq3A_49 = arith.cmpi eq, %iota3A, %eq3A_48 : vector<512x8xi32>
    %eq3A_50 = vector.broadcast %broadcast_in_dim3A_26 : vector<512x1xi32> to vector<512x8xi32>
    %eq3A_51 = arith.cmpi eq, %iota3A, %eq3A_50 : vector<512x8xi32>
    %or3A = arith.ori %eq3A_49, %eq3A_51 : vector<512x8xi1>
    %jit3A_52 = arith.constant 1 : i32
    %jit3A_53 = arith.constant 0 : i32
    %broadcast_in_dim3A_54 = vector.broadcast %jit3A_52 : i32 to vector<512x8xi32>
    %broadcast_in_dim3A_55 = vector.broadcast %jit3A_53 : i32 to vector<512x8xi32>
    %select_n3A_56 = arith.select %or3A, %broadcast_in_dim3A_54, %broadcast_in_dim3A_55 : vector<512x8xi1>, vector<512x8xi32>
    %swap3A_57 = arith.constant 0 : index
    %swap3A_58 = arith.constant 0 : index
    %swap3A_59 = vector.load %arg4[%swap3A_57, %swap3A_58] : memref<512x8xi32, #tpu.memory_space<vmem>>, vector<512x8xi32>
    tpu.vector_store %arg4[%swap3A_57, %swap3A_58], %select_n3A_56 {strides = array<i32>} : memref<512x8xi32, #tpu.memory_space<vmem>>, vector<512x8xi32>,
    return
  }
  func.func @transform_0(%arg0: i32) -> (i32, i32) {
    %c0_i32 = arith.constant 0 : i32
    %c0_i32_0 = arith.constant 0 : i32
    return %arg0, %c0_i32 : i32, i32
  }
  func.func @transform_1(%arg0: i32) -> (i32, i32) {
    %c0_i32 = arith.constant 0 : i32
    %c0_i32_0 = arith.constant 0 : i32
    %c0_i32_1 = arith.constant 0 : i32
    return %c0_i32, %c0_i32_0 : i32, i32
  }
  func.func @transform_2(%arg0: i32) -> (i32, i32) {
    %c0_i32 = arith.constant 0 : i32
    %c0_i32_0 = arith.constant 0 : i32
    return %arg0, %c0_i32 : i32, i32
  }
  func.func @transform_3(%arg0: i32) -> (i32, i32) {
    %c0_i32 = arith.constant 0 : i32
    %c0_i32_0 = arith.constant 0 : i32
    return %arg0, %c0_i32 : i32, i32
  }
}

module attributes {stable_mosaic.version = 14 : i64} {
  func.func @_ffn_body(%arg0: i32, %arg1: i32, %arg2: memref<24xi32, #tpu.memory_space<smem>>, %arg3: memref<512x2048xf32, #tpu.memory_space<vmem>>, %arg4: memref<1x512x2048xf32, #tpu.memory_space<vmem>>, %arg5: memref<1x512x2048xf32, #tpu.memory_space<vmem>>, %arg6: memref<1x2048x512xf32, #tpu.memory_space<vmem>>, %arg7: memref<1x512x1xf32, #tpu.memory_space<vmem>>, %arg8: memref<512x2048xf32, #tpu.memory_space<vmem>>) attributes {dimension_semantics = [#tpu.dimension_semantics<arbitrary>, #tpu.dimension_semantics<arbitrary>], iteration_bounds = array<i64: 24, 16>, scalar_prefetch = 1 : i64, scratch_operands = 0 : i64, tpu.core_type = #tpu.core_type<tc>, window_params = [{transform_indices = @transform_0, window_bounds = array<i64: 512, 2048>}, {transform_indices = @transform_1, window_bounds = array<i64: 1, 512, 2048>}, {transform_indices = @transform_2, window_bounds = array<i64: 1, 512, 2048>}, {transform_indices = @transform_3, window_bounds = array<i64: 1, 2048, 512>}, {transform_indices = @transform_4, window_bounds = array<i64: 1, 512, 1>}, {transform_indices = @transform_5, window_bounds = array<i64: 512, 2048>}]} {
    %get3A = arith.index_cast %arg0 : i32 to index
    %get3A_0 = memref.load %arg2[%get3A] : memref<24xi32, #tpu.memory_space<smem>>
    %eq3A = arith.constant 0 : i32
    %eq3A_1 = arith.cmpi eq, %arg1, %eq3A : i32
    %convert_element_type3A = arith.extui %eq3A_1 : i1 to i32
    %cond3A = arith.constant 0 : i32
    %cond3A_2 = arith.cmpi ne, %convert_element_type3A, %cond3A : i32
    scf.if %cond3A_2 {
      %broadcast_in_dim3A = arith.constant 0.000000e+00 : f32
      %broadcast_in_dim3A_14 = vector.broadcast %broadcast_in_dim3A : f32 to vector<512x2048xf32>
      %swap3A = arith.constant 0 : index
      %swap3A_15 = arith.constant 0 : index
      %swap3A_16 = vector.load %arg8[%swap3A, %swap3A_15] : memref<512x2048xf32, #tpu.memory_space<vmem>>, vector<512x2048xf32>
      tpu.vector_store %arg8[%swap3A, %swap3A_15], %broadcast_in_dim3A_14 {strides = array<i32>} : memref<512x2048xf32, #tpu.memory_space<vmem>>, vector<512x2048xf32>,
    } else {
    }
    %ge3A = arith.constant 0 : i32
    %ge3A_3 = arith.cmpi sge, %get3A_0, %ge3A : i32
    %convert_element_type3A_4 = arith.extui %ge3A_3 : i1 to i32
    %cond3A_5 = arith.constant 0 : i32
    %cond3A_6 = arith.cmpi ne, %convert_element_type3A_4, %cond3A_5 : i32
    scf.if %cond3A_6 {
      %get3A_14 = arith.constant 0 : index
      %get3A_15 = arith.constant 0 : index
      %get3A_16 = vector.load %arg3[%get3A_14, %get3A_15] : memref<512x2048xf32, #tpu.memory_space<vmem>>, vector<512x2048xf32>
      %get3A_17 = arith.constant 0 : index
      %get3A_18 = arith.constant 0 : index
      %get3A_19 = arith.constant 0 : index
      %get3A_20 = vector.load %arg4[%get3A_17, %get3A_18, %get3A_19] : memref<1x512x2048xf32, #tpu.memory_space<vmem>>, vector<1x512x2048xf32>
      %get3A_21 = vector.shape_cast %get3A_20 : vector<1x512x2048xf32> to vector<512x2048xf32>
      %dot_general3A = arith.constant dense<0.000000e+00> : vector<512x512xf32>
      %dot_general3A_22 = tpu.matmul %get3A_16, %get3A_21, %dot_general3A {dimension_numbers = #tpu.dot_dimension_numbers<[1], [1], [0], [0], [0, 0, 1, 0], [], []>, transpose_lhs_hint = false} : vector<512x2048xf32>, vector<512x2048xf32>, vector<512x512xf32> -> vector<512x512xf32>
      %get3A_23 = arith.constant 0 : index
      %get3A_24 = arith.constant 0 : index
      %get3A_25 = arith.constant 0 : index
      %get3A_26 = vector.load %arg5[%get3A_23, %get3A_24, %get3A_25] : memref<1x512x2048xf32, #tpu.memory_space<vmem>>, vector<1x512x2048xf32>
      %get3A_27 = vector.shape_cast %get3A_26 : vector<1x512x2048xf32> to vector<512x2048xf32>
      %dot_general3A_28 = arith.constant dense<0.000000e+00> : vector<512x512xf32>
      %dot_general3A_29 = tpu.matmul %get3A_16, %get3A_27, %dot_general3A_28 {dimension_numbers = #tpu.dot_dimension_numbers<[1], [1], [0], [0], [0, 0, 1, 0], [], []>, transpose_lhs_hint = false} : vector<512x2048xf32>, vector<512x2048xf32>, vector<512x512xf32> -> vector<512x512xf32>
      %neg3A = arith.constant 0.000000e+00 : f32
      %neg3A_30 = vector.broadcast %neg3A : f32 to vector<512x512xf32>
      %neg3A_31 = arith.subf %neg3A_30, %dot_general3A_22 : vector<512x512xf32>
      %exp3A = math.exp %neg3A_31 : vector<512x512xf32>
      %add3A = arith.constant 1.000000e+00 : f32
      %add3A_32 = vector.broadcast %add3A : f32 to vector<512x512xf32>
      %add3A_33 = arith.addf %add3A_32, %exp3A : vector<512x512xf32>
      %div3A = arith.constant 1.000000e+00 : f32
      %div3A_34 = vector.broadcast %div3A : f32 to vector<512x512xf32>
      %div3A_35 = arith.divf %div3A_34, %add3A_33 : vector<512x512xf32>
      %mul3A = arith.mulf %dot_general3A_22, %div3A_35 : vector<512x512xf32>
      %mul3A_36 = arith.mulf %mul3A, %dot_general3A_29 : vector<512x512xf32>
      %get3A_37 = arith.constant 0 : index
      %get3A_38 = arith.constant 0 : index
      %get3A_39 = arith.constant 0 : index
      %get3A_40 = vector.load %arg6[%get3A_37, %get3A_38, %get3A_39] : memref<1x2048x512xf32, #tpu.memory_space<vmem>>, vector<1x2048x512xf32>
      %get3A_41 = vector.shape_cast %get3A_40 : vector<1x2048x512xf32> to vector<2048x512xf32>
      %dot_general3A_42 = arith.constant dense<0.000000e+00> : vector<512x2048xf32>
      %dot_general3A_43 = tpu.matmul %mul3A_36, %get3A_41, %dot_general3A_42 {dimension_numbers = #tpu.dot_dimension_numbers<[1], [1], [0], [0], [0, 0, 1, 0], [], []>, transpose_lhs_hint = false} : vector<512x512xf32>, vector<2048x512xf32>, vector<512x2048xf32> -> vector<512x2048xf32>
      %get3A_44 = arith.constant 0 : index
      %get3A_45 = arith.constant 0 : index
      %get3A_46 = vector.load %arg8[%get3A_44, %get3A_45] : memref<512x2048xf32, #tpu.memory_space<vmem>>, vector<512x2048xf32>
      %add3A_47 = arith.addf %get3A_46, %dot_general3A_43 : vector<512x2048xf32>
      %swap3A = arith.constant 0 : index
      %swap3A_48 = arith.constant 0 : index
      %swap3A_49 = vector.load %arg8[%swap3A, %swap3A_48] : memref<512x2048xf32, #tpu.memory_space<vmem>>, vector<512x2048xf32>
      tpu.vector_store %arg8[%swap3A, %swap3A_48], %add3A_47 {strides = array<i32>} : memref<512x2048xf32, #tpu.memory_space<vmem>>, vector<512x2048xf32>,
    } else {
    }
    %eq3A_7 = arith.constant 15 : i32
    %eq3A_8 = arith.cmpi eq, %arg1, %eq3A_7 : i32
    %ge3A_9 = arith.constant 0 : i32
    %ge3A_10 = arith.cmpi sge, %get3A_0, %ge3A_9 : i32
    %and3A = arith.andi %eq3A_8, %ge3A_10 : i1
    %convert_element_type3A_11 = arith.extui %and3A : i1 to i32
    %cond3A_12 = arith.constant 0 : i32
    %cond3A_13 = arith.cmpi ne, %convert_element_type3A_11, %cond3A_12 : i32
    scf.if %cond3A_13 {
      %get3A_14 = arith.constant 0 : index
      %get3A_15 = arith.constant 0 : index
      %get3A_16 = vector.load %arg8[%get3A_14, %get3A_15] : memref<512x2048xf32, #tpu.memory_space<vmem>>, vector<512x2048xf32>
      %get3A_17 = arith.constant 0 : index
      %get3A_18 = arith.constant 0 : index
      %get3A_19 = arith.constant 0 : index
      %get3A_20 = vector.load %arg7[%get3A_17, %get3A_18, %get3A_19] : memref<1x512x1xf32, #tpu.memory_space<vmem>>, vector<1x512x1xf32>
      %get3A_21 = vector.shape_cast %get3A_20 : vector<1x512x1xf32> to vector<512x1xf32>
      %mul3A = vector.broadcast %get3A_21 : vector<512x1xf32> to vector<512x2048xf32>
      %mul3A_22 = arith.mulf %get3A_16, %mul3A : vector<512x2048xf32>
      %swap3A = arith.constant 0 : index
      %swap3A_23 = arith.constant 0 : index
      %swap3A_24 = vector.load %arg8[%swap3A, %swap3A_23] : memref<512x2048xf32, #tpu.memory_space<vmem>>, vector<512x2048xf32>
      tpu.vector_store %arg8[%swap3A, %swap3A_23], %mul3A_22 {strides = array<i32>} : memref<512x2048xf32, #tpu.memory_space<vmem>>, vector<512x2048xf32>,
    } else {
    }
    return
  }
  func.func @transform_0(%arg0: i32, %arg1: i32, %arg2: memref<24xi32, #tpu.memory_space<smem>>) -> (i32, i32) {
    %c0_i32 = arith.constant 0 : i32
    %c0_i32_0 = arith.constant 0 : i32
    return %arg0, %c0_i32 : i32, i32
  }
  func.func @transform_1(%arg0: i32, %arg1: i32, %arg2: memref<24xi32, #tpu.memory_space<smem>>) -> (i32, i32, i32) {
    %get3A = arith.index_cast %arg0 : i32 to index
    %get3A_0 = memref.load %arg2[%get3A] : memref<24xi32, #tpu.memory_space<smem>>
    %max3A = arith.constant 0 : i32
    %max3A_1 = arith.maxsi %get3A_0, %max3A : i32
    %get3A_2 = arith.index_cast %arg0 : i32 to index
    %get3A_3 = memref.load %arg2[%get3A_2] : memref<24xi32, #tpu.memory_space<smem>>
    %lt3A = arith.constant 0 : i32
    %lt3A_4 = arith.cmpi slt, %get3A_3, %lt3A : i32
    %jit3A = arith.constant 0 : i32
    %select_n3A = arith.select %lt3A_4, %jit3A, %arg1 : i32
    %c0_i32 = arith.constant 0 : i32
    %c0_i32_5 = arith.constant 0 : i32
    return %max3A_1, %select_n3A, %c0_i32 : i32, i32, i32
  }
  func.func @transform_2(%arg0: i32, %arg1: i32, %arg2: memref<24xi32, #tpu.memory_space<smem>>) -> (i32, i32, i32) {
    %get3A = arith.index_cast %arg0 : i32 to index
    %get3A_0 = memref.load %arg2[%get3A] : memref<24xi32, #tpu.memory_space<smem>>
    %max3A = arith.constant 0 : i32
    %max3A_1 = arith.maxsi %get3A_0, %max3A : i32
    %get3A_2 = arith.index_cast %arg0 : i32 to index
    %get3A_3 = memref.load %arg2[%get3A_2] : memref<24xi32, #tpu.memory_space<smem>>
    %lt3A = arith.constant 0 : i32
    %lt3A_4 = arith.cmpi slt, %get3A_3, %lt3A : i32
    %jit3A = arith.constant 0 : i32
    %select_n3A = arith.select %lt3A_4, %jit3A, %arg1 : i32
    %c0_i32 = arith.constant 0 : i32
    %c0_i32_5 = arith.constant 0 : i32
    return %max3A_1, %select_n3A, %c0_i32 : i32, i32, i32
  }
  func.func @transform_3(%arg0: i32, %arg1: i32, %arg2: memref<24xi32, #tpu.memory_space<smem>>) -> (i32, i32, i32) {
    %get3A = arith.index_cast %arg0 : i32 to index
    %get3A_0 = memref.load %arg2[%get3A] : memref<24xi32, #tpu.memory_space<smem>>
    %max3A = arith.constant 0 : i32
    %max3A_1 = arith.maxsi %get3A_0, %max3A : i32
    %get3A_2 = arith.index_cast %arg0 : i32 to index
    %get3A_3 = memref.load %arg2[%get3A_2] : memref<24xi32, #tpu.memory_space<smem>>
    %lt3A = arith.constant 0 : i32
    %lt3A_4 = arith.cmpi slt, %get3A_3, %lt3A : i32
    %jit3A = arith.constant 0 : i32
    %select_n3A = arith.select %lt3A_4, %jit3A, %arg1 : i32
    %c0_i32 = arith.constant 0 : i32
    %c0_i32_5 = arith.constant 0 : i32
    return %max3A_1, %c0_i32, %select_n3A : i32, i32, i32
  }
  func.func @transform_4(%arg0: i32, %arg1: i32, %arg2: memref<24xi32, #tpu.memory_space<smem>>) -> (i32, i32, i32) {
    %c0_i32 = arith.constant 0 : i32
    %c0_i32_0 = arith.constant 0 : i32
    %c0_i32_1 = arith.constant 0 : i32
    return %arg0, %c0_i32, %c0_i32_0 : i32, i32, i32
  }
  func.func @transform_5(%arg0: i32, %arg1: i32, %arg2: memref<24xi32, #tpu.memory_space<smem>>) -> (i32, i32) {
    %c0_i32 = arith.constant 0 : i32
    %c0_i32_0 = arith.constant 0 : i32
    return %arg0, %c0_i32 : i32, i32
  }
}

</mosaic_0001>

<sc_bundles>
// kernel: kernel.6.cloned.1.call-start
scs
__scs_entry_jumppad:
0x0: {  	(pc) =	sbr.rel $0x88, $3  }
0x1: {  	(tag) =	ssettag $0x0;
	lr =	simm.s32 $0x1  }
0x2: {  	[smem:$0x3F9C] =	sst lr;
	_ =	strace $0xD0000000  }
0x3: {  	_ = 	snop  }
0x4: {  	_ = 	snop  }
0x5: {  	_ = 	snop  }
0x6: {  	_ = 	snop  }
0x7: {  	_ = 	snop  }
__scs_overlays_trampoline_lowered:
0x8: {  	[smem:$0x3FAB] =	sst s0  }
0x9: {  	[smem:$0x3FAC] =	sst s1  }
0xa: {  	[smem:$0x3FAD] =	sst s2  }
0xb: {  	[smem:$0x3FAE] =	sst s3  }
0xc: {  	[smem:$0x3FAF] =	sst s4  }
0xd: {  	[smem:$0x3FB0] =	sst s5  }
0xe: {  	[smem:$0x3FB1] =	sst s6  }
0xf: {  	[smem:$0x3FB2] =	sst s7  }
0x10: {  	[smem:$0x3FB3] =	sst s8  }
0x11: {  	[smem:$0x3FB4] =	sst s9;
	s0 =	simm.s32 @!p0 $0x0  }
0x12: {  	s1 =	sld [smem:$0x3F9A];
	s0 =	simm.s32 @p0 $0x1  }
0x13: {  	[smem:$0x3FB5] =	sst s0;
	s0 =	simm.s32 @!p1 $0x0  }
0x14: {  	s2 =	sld [smem:$0x3F99];
	s0 =	simm.s32 @p1 $0x1  }
0x15: {  	[smem:$0x3FB6] =	sst s0;
	s0 =	simm.s32 @!p2 $0x0  }
0x16: {  	s3 =	sld [smem:$0x3FDB];
	s0 =	simm.s32 @p2 $0x1  }
0x17: {  	s4 =	simm.s32 $0x1BF5;
	[smem:$0x3FB8] =	sst s0  }
0x18: {  	s0 =	sld [smem:$0x3F9B];
	_ =	swait.ge [sflag:s4], $0x0  }
0x19: {  	s7 =	sld [smem:$0x3F9C]  }
0x1a: {  	s8 =	sadd.s32 $0xFFFFE003, lr  }
0x1b: {  	s9 =	sadd.s32 $0xFFFFFEF7, lr;
	s5 =	simm.s32 $0xFFFFFFFF;
	p2 =	slt.u32 s8, $0xFFFFF086  }
0x1c: {  	p1 =	slt.u32 s9, $0xF7A;
	s5 =	simm.s32 @!p2 $0x0  }
0x1d: {  	s5 =	simm.s32 @p1 $0x1;
	p0 =	seq.s32 s7, s2  }
0x1e: {  	s7 =	smul.u32 @!p0 $0xF7A, s2;
	p2 =	seq.s32 @!p0 s5, $0x0  }
0x1f: {  	s9 =	smul.u32 $0xF7A, s1;
	s8 =	simm.s32 @!p0 $0x1BF5;
	p2 =	por !p2, p0  }
0x20: {  	[sflag:s8] =	ssyncset.s32 @!p0 $0xFFFFF086;
	s6 =	sadd.s32 @!p0 s3, s7;
	s7 =	simm.s32 @!p0 $0x108  }
0x21: {  	s3 =	sadd.s32 s3, s9;
	s6 =	sadd.s32 @!p0 $0x88, s6;
	s7 =	simm.s32 @p2 $0x1082  }
0x22: {  	[simem:s7], [sflag:s8] =	dma.local @!p0 [hbm:s6], $0xF7A  }
0x23: {  	s9 =	sor.u32 $0xD0000000, s2;
	s6 =	simm.s32 $0x108;
	_ =	swait.ge @!p0 [sflag:s8], $0x0  }
0x24: {  	s3 =	sadd.s32 $0x88, s3;
	s6 =	simm.s32 @!p1 $0x1082;
	[sflag:s4] =	ssyncset.s32 $0xFFFFF086  }
0x25: {  	[simem:s6], [sflag:s4] =	dma.local [hbm:s3], $0xF7A  }
0x26: {  	[smem:$0x3F9C] =	sst s1;
	(tag) =	ssettag s2;
	_ =	strace s9  }
0x27: {  	s1 =	sld [smem:$0x3FAC]  }
0x28: {  	s2 =	sld [smem:$0x3FAD]  }
0x29: {  	s4 =	sld [smem:$0x3FAF]  }
0x2a: {  	p0 =	seq.s32 s5, $0x0;
	s5 =	sld [smem:$0x3FB0]  }
0x2b: {  	s6 =	sld [smem:$0x3FB1]  }
0x2c: {  	s7 =	sld [smem:$0x3FB2]  }
0x2d: {  	s3 =	simm.s32 $0x108;
	s8 =	sld [smem:$0x3FB3]  }
0x2e: {  	s3 =	simm.s32 @!p0 $0x1082;
	s9 =	sld [smem:$0x3FB4]  }
0x2f: {  	lr =	sadd.s32 s0, s3;
	s0 =	sld [smem:$0x3FAB]  }
0x30: {  	s3 =	sld [smem:$0x3FAE]  }
0x31: {  	[smem:$0x3FB7] =	sst s10  }
0x32: {  	s10 =	sld [smem:$0x3FB5];
	_ =	sdelay $0x3  }
0x33: {  	p0 =	seq.s32 s10, $0x1;
	s10 =	sld [smem:$0x3FB7];
	_ =	sdelay $0x3  }
0x34: {  	[smem:$0x3FB7] =	sst s10  }
0x35: {  	s10 =	sld [smem:$0x3FB6];
	_ =	sdelay $0x3  }
0x36: {  	p1 =	seq.s32 s10, $0x1;
	s10 =	sld [smem:$0x3FB7];
	_ =	sdelay $0x3  }
0x37: {  	[smem:$0x3FB7] =	sst s10  }
0x38: {  	s10 =	sld [smem:$0x3FB8]  }
0x39: {  	_ = 	snop;
	(pc) =	sbr.ind lr, $3  }
0x3a: {  	_ = 	snop  }
0x3b: {  	_ = 	snop  }
0x3c: {  	p2 =	seq.s32 s10, $0x1;
	s10 =	sld [smem:$0x3FB7]  }
0x3d: {  	_ =	shalt  }
0x3e: {  	_ =	shalt  }
0x3f: {  	_ =	shalt  }
0x40: {  	_ =	shalt  }
0x41: {  	_ =	shalt  }
0x42: {  	_ =	shalt  }
0x43: {  	_ =	shalt  }
0x44: {  	_ =	shalt  }
0x45: {  	_ =	shalt  }
0x46: {  	_ =	shalt  }
0x47: {  	_ =	shalt  }
0x48: {  	_ =	shalt  }
0x49: {  	_ =	shalt  }
0x4a: {  	_ =	shalt  }
0x4b: {  	_ =	shalt  }
0x4c: {  	_ =	shalt  }
0x4d: {  	_ =	shalt  }
0x4e: {  	_ =	shalt  }
0x4f: {  	_ =	shalt  }
0x50: {  	_ =	shalt  }
0x51: {  	_ =	shalt  }
0x52: {  	_ =	shalt  }
0x53: {  	_ =	shalt  }
0x54: {  	_ =	shalt  }
0x55: {  	_ =	shalt  }
0x56: {  	_ =	shalt  }
0x57: {  	_ =	shalt  }
0x58: {  	_ =	shalt  }
0x59: {  	_ =	shalt  }
0x5a: {  	_ =	shalt  }
0x5b: {  	_ =	shalt  }
0x5c: {  	_ =	shalt  }
0x5d: {  	_ =	shalt  }
0x5e: {  	_ =	shalt  }
0x5f: {  	_ =	shalt  }
0x60: {  	_ =	shalt  }
0x61: {  	_ =	shalt  }
0x62: {  	_ =	shalt  }
0x63: {  	_ =	shalt  }
0x64: {  	_ =	shalt  }
0x65: {  	_ =	shalt  }
0x66: {  	_ =	shalt  }
0x67: {  	_ =	shalt  }
0x68: {  	_ =	shalt  }
0x69: {  	_ =	shalt  }
0x6a: {  	_ =	shalt  }
0x6b: {  	_ =	shalt  }
0x6c: {  	_ =	shalt  }
0x6d: {  	_ =	shalt  }
0x6e: {  	_ =	shalt  }
0x6f: {  	_ =	shalt  }
0x70: {  	_ =	shalt  }
0x71: {  	_ =	shalt  }
0x72: {  	_ =	shalt  }
0x73: {  	_ =	shalt  }
0x74: {  	_ =	shalt  }
0x75: {  	_ =	shalt  }
0x76: {  	_ =	shalt  }
0x77: {  	_ =	shalt  }
0x78: {  	_ =	shalt  }
0x79: {  	_ =	shalt  }
0x7a: {  	_ =	shalt  }
0x7b: {  	_ =	shalt  }
0x7c: {  	_ =	shalt  }
0x7d: {  	_ =	shalt  }
0x7e: {  	_ =	shalt  }
0x7f: {  	_ =	shalt  }
0x80: {  	_ =	shalt  }
0x81: {  	_ =	shalt  }
0x82: {  	_ =	shalt  }
0x83: {  	_ =	shalt  }
0x84: {  	_ =	shalt  }
0x85: {  	_ =	shalt  }
0x86: {  	_ =	shalt  }
0x87: {  	_ =	shalt  }
.Lfunc_end0:
.L_simem_size_0:
called_computation_lowered:
.L_overlay_start_0:
0x88: {  	s2 =	sld [smem:$0x3FD9]  }
0x89: {  	s3 =	sld [smem:$0x3FFE];
	_ =	sdelay $0x1  }
0x8a: {  	s1 =	srdreg.scid  }
0x8b: {  	s0 =	sand.u32 $0x1, s1  }
0x8c: {  	s17 =	sshll.u32 s0, $0xA;
	s2 =	sadd.s32 s3, s2  }
0x8d: {  	s2 =	sadd.s32 s2, s17  }
0x8e: {  	[smem:$0x3FC3] =	sst s2  }
0x8f: {  	_ = 	snop  }
0x90: {  	s2 =	sld [smem:$0x3FC9];
	(tm) =	ssettm $0x1  }
0x91: {  	s18 =	sld [smem:$0x3FFB];
	_ =	sdelay $0x3  }
0x92: {  	_ =	strace s18  }
0x93: {  	s3 =	sld [smem:$0x3FFC];
	_ =	sdelay $0x3  }
0x94: {  	_ =	strace s3  }
0x95: {  	s3 =	sld [smem:$0x3FFD];
	_ =	sdelay $0x3  }
0x96: {  	_ =	strace s3  }
0x97: {  	_ =	strace $0x8FFFFFFF  }
0x98: {  	s19 =	sld [smem:$0x3FDB];
	_ =	sdelay $0x1  }
0x99: {  	s4 =	simm.s32 $_scs_section_size  }
0x9a: {  	s5 =	simm.s32 $_size__tile_overlayer_lowered;
	s6 =	simm.s32 $_tile_overlayer_lowered  }
0x9b: {  	s22 =	simm.s32 $0x1BFF;
	s21 =	sshll.u32 s6, $0x1;
	s3 =	sadd.s32 s4, s19  }
0x9c: {  	s7 =	simm.s32 $0x0;
	s20 =	sshll.u32 s5, $0x1;
	s5 =	sadd.s32 s21, s3  }
0x9d: {  	[timem:s7], [sflag:s22] =	dma.local [hbm:s5], s20  }
0x9e: {  	_ =	swait.ge [sflag:s22], s20  }
0x9f: {  	s4 =	ssub.s32 $0x0, s20;
	[sflag:s22] =	ssyncset.done $0x0  }
0xa0: {  	[sflag:s22] =	ssyncadd.s32 s4;
	_ =	sdelay $0x1  }
0xa1: {  	s23 =	simm.s32 $0x1B8B  }
0xa2: {  	_ =	swait.ge [sflag:s23], $0x1  }
0xa3: {  	[sflag:s23] =	ssyncset.done $0x0  }
0xa4: {  	s25 =	simm.s32 $0x1B8E;
	s24 =	sld [smem:$0x3FFE];
	[sflag:s23] =	ssyncadd.s32 $0xFFFFFFFF  }
0xa5: {  	s26 =	simm.s32 $execute0_lowered;
	[smem:$0x3FD2] =	sst s25  }
0xa6: {  	s5 =	sshll.u32 s26, $0x1;
	_ =	strace $0x80000046;
	[dreg:$0x1] =	wrdreg $0xFFFFFFFF  }
0xa7: {  	s28 =	simm.s32 $_size_execute0_lowered;
	s3 =	sadd.s32 s3, s5;
	[dreg:$0x0] =	wrdreg $0x0  }
0xa8: {  	s5 =	sshll.u32 s28, $0x1;
	[dreg:$0x2] =	wrdreg s3  }
0xa9: {  	[dreg:$0x3] =	wrdreg s5  }
0xaa: {  	[dreg:$0x4] =	wrdreg $0xC0  }
0xab: {  	_ =	task [dreg:s7], $0x5FFFF  }
0xac: {  	[dreg:$0x1] =	wrdreg $0xFFFFFFFF  }
0xad: {  	[dreg:$0x0] =	wrdreg $0x60  }
0xae: {  	[dreg:$0x2] =	wrdreg s24  }
0xaf: {  	[dreg:$0x3] =	wrdreg s2  }
0xb0: {  	[dreg:$0x4] =	wrdreg $0x9  }
0xb1: {  	_ =	task.clear_ibuf [dreg:s7], $0x5FFFF;
	_ =	strace $0x90000046  }
0xb2: {  	s29 =	simm.s32 $0x9;
	_ =	strace $0x80000048  }
0xb3: {  	_ =	swait.ge [sflag:s29], $0x1  }
0xb4: {  	[sflag:s29] =	ssyncadd.s32 $0xFFFFFFFF  }
0xb5: {  	_ =	strace $0x90000048  }
0xb6: {  	_ =	sfence  }
0xb7: {  	s30 =	sld [smem:$0x0];
	_ =	sdelay $0x2  }
0xb8: {  	s31 =	sshll.u32 s1, $0xD;
	s1 =	sshrl.u32 s1, $0x2  }
0xb9: {  	s3 =	sand.u32 $0x4000, s31;
	s1 =	sadd.s32 s1, s30  }
0xba: {  	s0 =	sor.u32 s3, s0;
	s1 =	sshll.u32 s1, $0x11  }
0xbb: {  	s0 =	sor.u32 s1, s0  }
0xbc: {  	s0 =	sadd.s32 $0x8F2B, s0  }
0xbd: {  	[sflag:s0] =	ssyncadd.remote.s32 $0x1  }
0xbe: {  	_ =	sfence.sel $0xFFFF  }
0xbf: {  	[dreg:$0x0] =	wrdreg $0xFFFFFFFF;
	(pc) =	sbr.abs _section_cstart, $3  }
0xc0: {  	[dreg:$0x1] =	wrdreg $0xFFFFFFFF  }
0xc1: {  	_ =	task.clear_ibuf [dreg:s7], $0x2FFFF;
	_ =	strace $0x9FFFFFFF  }
0xc2: {  	(tm) =	ssettm $0x7FFFFFFF  }
0xc3: {  	_ =	shalt  }
tec
execute0_lowered:
.L_overlay_start_1:
0x0: {  	(tag) =	ssettag $0x1  }
0x1: {  	s0 =	rddreg [dreg:$0x0]  }
0x2: {  	s1 =	srdreg.scid;
	s7 =	stileid.u32  }
0x3: {  	s2 =	rddreg [dreg:$0x1];
	s3 =	simm.s32 $0x0;
	s24 =	simm.s32 $0x8980  }
0x4: {  	s25 =	simm.s32 $0x9180;
	s26 =	simm.s32 $0x9980;
	s15 =	simm.s32 $0x3  }
0x5: {  	s16 =	simm.s32 $0x180;
	s14 =	simm.s32 $0xB980;
	s19 =	simm.s32 $0x980  }
0x6: {  	s17 =	simm.s32 $0xC180;
	s20 =	simm.s32 $0x1180;
	s18 =	simm.s32 $0xC980  }
0x7: {  	s28 =	simm.s32 $0x6180;
	s29 =	simm.s32 $0x7180;
	s30 =	simm.s32 $0x7980  }
0x8: {  	s31 =	simm.s32 $0x0;
	s1 =	sand.u32 $0x1, s1;
	s4 =	sshll.u32 s7, $0x1  }
0x9: {  	[smem:$0x7FF] =	sst s3;
	s12 =	sadd.s32 $0x600, s0;
	s21 =	smul.u32 $0x180000, s7  }
0xa: {  	s7 =	sadd.s32 $0x300, s2;
	_ =	strace $0x80000047;
	[dreg:$0x3] =	wrdreg s24  }
0xb: {  	s8 =	sadd.s32 $0x400, s2;
	s9 =	sadd.s32 $0x500, s2;
	[dreg:$0x4] =	wrdreg s25  }
0xc: {  	s10 =	sadd.s32 $0x600, s2;
	s11 =	sadd.s32 $0x700, s2;
	[dreg:$0x5] =	wrdreg s26  }
0xd: {  	s4 =	sor.u32 s1, s4;
	s5 =	ssub.s32 $0x2, s1;
	[dreg:$0x9] =	wrdreg s14  }
0xe: {  	s1 =	smul.u32 $0xC0000, s1;
	[dreg:$0xa] =	wrdreg s17;
	s14 =	simm.s32 $0x1980  }
0xf: {  	[dreg:$0xb] =	wrdreg s18;
	s17 =	simm.s32 $0x2180;
	s24 =	simm.s32 $0xE980  }
0x10: {  	s18 =	simm.s32 $0x2980;
	s25 =	simm.s32 $0xF180;
	[dreg:$0xf] =	wrdreg s24  }
0x11: {  	s26 =	simm.s32 $0xF980;
	s4 =	smul.u32 $0x30, s4;
	[dreg:$0x10] =	wrdreg s25  }
0x12: {  	s6 =	sshrl.u32 s5, $0x1;
	[dreg:$0x11] =	wrdreg s26;
	s24 =	simm.s32 $0x4980  }
0x13: {  	s25 =	simm.s32 $0x5180;
	s13 =	ssub.s32 s5, s6;
	s0 =	sadd.s32 s0, s4  }
0x14: {  	s26 =	simm.s32 $0x5980;
	s22 =	smax.u32 s13, $0x1;
	[dreg:$0x12] =	wrdreg s0  }
0x15: {  	s5 =	sadd.s32 $0x100, s2;
	s4 =	simm.s32 $0xA180;
	[dreg:$0x13] =	wrdreg s22  }
0x16: {  	s6 =	sadd.s32 $0x200, s2;
	s13 =	simm.s32 $0xB180;
	[dreg:$0x6] =	wrdreg s4  }
0x17: {  	s0 =	sadd.s32 s1, s21;
	[dreg:$0x8] =	wrdreg s13;
	s21 =	simm.s32 $0xD180  }
0x18: {  	s22 =	simm.s32 $0xD980;
	s4 =	simm.s32 $0x1;
	[dreg:$0xc] =	wrdreg s21  }
0x19: {  	s23 =	sshrl.u32 s0, $0x3;
	s0 =	sor.u32 $0x8000, s0;
	[dreg:$0xd] =	wrdreg s22  }
0x1a: {  	s21 =	simm.s32 $0x3180;
	s22 =	simm.s32 $0x3980;
	s1 =	sadd.s32 s23, s12  }
0x1b: {  	s0 =	sshrl.u32 s0, $0x3;
	s23 =	simm.s32 $0xE180;
	[dreg:$0x14] =	wrdreg s1  }
0x1c: {  	v2 =	vlaneseq.u32;
	s0 =	sadd.s32 s0, s12;
	s12 =	simm.s32 $0xA980;
	[dreg:$0xe] =	wrdreg s23  }
0x1d: {  	vm0 =	vmmov $0xffff;
	v1 =	vshrl.u32 v2, $0x3;
	s23 =	simm.s32 $0x4180;
	s1 =	simm.s32 $0x6980;
	[dreg:$0x15] =	wrdreg s0  }
0x1e: {  	v0 =	vand.u32 $0x7, v2;
	v2 =	vor.u32 $0x8, v2;
	v1 =	vmul.u32 $0x8, v1;
	[dreg:$0x7] =	wrdreg s12;
	s0 =	simm.s32 $0x8180;
	s12 =	simm.s32 $0x2  }
.LBB2_1:
0x1f: {  	[dreg:$0x16] =	wrdreg s31  }
0x20: {  	s13 =	rddreg [dreg:$0x12]  }
0x21: {  	[tilespmem:s3], [sflag:$0x3] =	stream.linear.gather [hbm4b:s13+s3], $0x180, $0x38;
	[tilespmem:$0x10180] =	vst v63  }
0x22: {  	_ =	swait.ge [sflag:s15], $0x180  }
0x23: {  	[sflag:s15] =	ssyncset.done $0x0  }
0x24: {  	[sflag:s15] =	ssyncadd.s32 $0xFFFFFE80  }
0x25: {  	v3 =	vld [tilespmem:$0x0];
	_ =	sdelay $0x4  }
0x26: {  	v4 =	vshll.u32 v3, $0x4  }
0x27: {  	v3 =	vand.u32 $0x7, v3;
	v4 =	vand.u32 $0xFFFFFF80, v4  }
0x28: {  	v3 =	vor.u32 v3, v4  }
0x29: {  	v4 =	vperm.xlane v3, v0;
	_ =	sdelay $0x1  }
0x2a: {  	v4 =	vadd.s32 v1, v4;
	_ =	sdelay $0x4  }
0x2b: {  	[tilespmem:s16], [sflag:$0x1] =	stream.indirect_vreg.gather [hbm4b:s2+s3], $0x80, v4, vm0, $0xb8;
	[tilespmem:$0x10180] =	vst v63  }
0x2c: {  	_ = 	snop  }
0x2d: {  	[tilespmem:s19], [sflag:$0x1] =	stream.indirect_vreg.gather [hbm4b:s5+s3], $0x80, v4, vm0, $0xb8;
	[tilespmem:$0x10180] =	vst v63  }
0x2e: {  	_ = 	snop  }
0x2f: {  	[tilespmem:s20], [sflag:$0x1] =	stream.indirect_vreg.gather [hbm4b:s6+s3], $0x80, v4, vm0, $0xb8;
	[tilespmem:$0x10180] =	vst v63  }
0x30: {  	_ = 	snop  }
0x31: {  	[tilespmem:s14], [sflag:$0x1] =	stream.indirect_vreg.gather [hbm4b:s7+s3], $0x80, v4, vm0, $0xb8;
	[tilespmem:$0x10180] =	vst v63  }
0x32: {  	_ = 	snop  }
0x33: {  	[tilespmem:s17], [sflag:$0x1] =	stream.indirect_vreg.gather [hbm4b:s8+s3], $0x80, v4, vm0, $0xb8;
	[tilespmem:$0x10180] =	vst v63  }
0x34: {  	v3 =	vperm.xlane v3, v2  }
0x35: {  	[tilespmem:s18], [sflag:$0x1] =	stream.indirect_vreg.gather [hbm4b:s9+s3], $0x80, v4, vm0, $0xb8;
	[tilespmem:$0x10180] =	vst v63  }
0x36: {  	v3 =	vadd.s32 v1, v3  }
0x37: {  	[tilespmem:s21], [sflag:$0x1] =	stream.indirect_vreg.gather [hbm4b:s10+s3], $0x80, v4, vm0, $0xb8;
	[tilespmem:$0x10180] =	vst v63  }
0x38: {  	_ = 	snop  }
0x39: {  	[tilespmem:s22], [sflag:$0x1] =	stream.indirect_vreg.gather [hbm4b:s11+s3], $0x80, v4, vm0, $0xb8;
	[tilespmem:$0x10180] =	vst v63  }
0x3a: {  	_ = 	snop  }
0x3b: {  	[tilespmem:s23], [sflag:$0x1] =	stream.indirect_vreg.gather [hbm4b:s2+s3], $0x80, v3, vm0, $0xb8;
	[tilespmem:$0x10180] =	vst v63  }
0x3c: {  	_ = 	snop  }
0x3d: {  	[tilespmem:s24], [sflag:$0x1] =	stream.indirect_vreg.gather [hbm4b:s5+s3], $0x80, v3, vm0, $0xb8;
	[tilespmem:$0x10180] =	vst v63  }
0x3e: {  	_ = 	snop  }
0x3f: {  	[tilespmem:s25], [sflag:$0x1] =	stream.indirect_vreg.gather [hbm4b:s6+s3], $0x80, v3, vm0, $0xb8;
	[tilespmem:$0x10180] =	vst v63  }
0x40: {  	_ = 	snop  }
0x41: {  	[tilespmem:s26], [sflag:$0x1] =	stream.indirect_vreg.gather [hbm4b:s7+s3], $0x80, v3, vm0, $0xb8;
	[tilespmem:$0x10180] =	vst v63  }
0x42: {  	s31 =	simm.s32 $0x7980;
	s13 =	rddreg [dreg:$0x15]  }
0x43: {  	[tilespmem:s28], [sflag:$0x1] =	stream.indirect_vreg.gather [hbm4b:s8+s3], $0x80, v3, vm0, $0xb8;
	[tilespmem:$0x10180] =	vst v63  }
0x44: {  	s14 =	simm.s32 $0x10;
	s17 =	simm.s32 $0x0;
	s18 =	rddreg [dreg:$0x14]  }
0x45: {  	[tilespmem:s1], [sflag:$0x1] =	stream.indirect_vreg.gather [hbm4b:s9+s3], $0x80, v3, vm0, $0xb8;
	[tilespmem:$0x10180] =	vst v63  }
0x46: {  	s22 =	simm.s32 $0x2180;
	s23 =	simm.s32 $0x2980;
	s24 =	simm.s32 $0x7180  }
0x47: {  	[tilespmem:s29], [sflag:$0x1] =	stream.indirect_vreg.gather [hbm4b:s10+s3], $0x80, v3, vm0, $0xb8;
	[tilespmem:$0x10180] =	vst v63  }
0x48: {  	s25 =	simm.s32 $0x3980;
	s26 =	simm.s32 $0x4180;
	s28 =	simm.s32 $0x4980  }
0x49: {  	[tilespmem:s30], [sflag:$0x1] =	stream.indirect_vreg.gather [hbm4b:s11+s3], $0x80, v3, vm0, $0xb8;
	[tilespmem:$0x10180] =	vst v63  }
0x4a: {  	s1 =	simm.s32 $0x6980;
	s29 =	simm.s32 $0x5180;
	s30 =	simm.s32 $0x5980  }
.LBB2_2:
0x4b: {  	v3 =	vld [tilespmem:s14+$0x0];
	_ =	sdelay $0x4  }
0x4c: {  	v4 =	vshll.u32 v3, $0x4  }
0x4d: {  	v3 =	vand.u32 $0x7, v3;
	v4 =	vand.u32 $0xFFFFFF80, v4  }
0x4e: {  	v3 =	vor.u32 v3, v4  }
0x4f: {  	v4 =	vperm.xlane v3, v0;
	_ =	sdelay $0x1  }
0x50: {  	v4 =	vadd.s32 v1, v4;
	_ =	sdelay $0x4  }
0x51: {  	[tilespmem:s0], [sflag:$0x2] =	stream.indirect_vreg.gather [hbm4b:s2+s3], $0x80, v4, vm0, $0xb8;
	[tilespmem:$0x10180] =	vst v63  }
0x52: {  	s19 =	rddreg [dreg:$0x3]  }
0x53: {  	[tilespmem:s19], [sflag:$0x2] =	stream.indirect_vreg.gather [hbm4b:s5+s3], $0x80, v4, vm0, $0xb8;
	[tilespmem:$0x10180] =	vst v63  }
0x54: {  	s20 =	rddreg [dreg:$0x4]  }
0x55: {  	[tilespmem:s20], [sflag:$0x2] =	stream.indirect_vreg.gather [hbm4b:s6+s3], $0x80, v4, vm0, $0xb8;
	[tilespmem:$0x10180] =	vst v63  }
0x56: {  	s21 =	rddreg [dreg:$0x5]  }
0x57: {  	[tilespmem:s21], [sflag:$0x2] =	stream.indirect_vreg.gather [hbm4b:s7+s3], $0x80, v4, vm0, $0xb8;
	[tilespmem:$0x10180] =	vst v63  }
0x58: {  	s20 =	rddreg [dreg:$0x6]  }
0x59: {  	[tilespmem:s20], [sflag:$0x2] =	stream.indirect_vreg.gather [hbm4b:s8+s3], $0x80, v4, vm0, $0xb8;
	[tilespmem:$0x10180] =	vst v63  }
0x5a: {  	v3 =	vperm.xlane v3, v2;
	s21 =	rddreg [dreg:$0x7]  }
0x5b: {  	[tilespmem:s21], [sflag:$0x2] =	stream.indirect_vreg.gather [hbm4b:s9+s3], $0x80, v4, vm0, $0xb8;
	[tilespmem:$0x10180] =	vst v63  }
0x5c: {  	v3 =	vadd.s32 v1, v3;
	s20 =	rddreg [dreg:$0x8]  }
0x5d: {  	[tilespmem:s20], [sflag:$0x2] =	stream.indirect_vreg.gather [hbm4b:s10+s3], $0x80, v4, vm0, $0xb8;
	[tilespmem:$0x10180] =	vst v63  }
0x5e: {  	s21 =	rddreg [dreg:$0x9]  }
0x5f: {  	[tilespmem:s21], [sflag:$0x2] =	stream.indirect_vreg.gather [hbm4b:s11+s3], $0x80, v4, vm0, $0xb8;
	[tilespmem:$0x10180] =	vst v63  }
0x60: {  	s20 =	rddreg [dreg:$0xa]  }
0x61: {  	[tilespmem:s20], [sflag:$0x2] =	stream.indirect_vreg.gather [hbm4b:s2+s3], $0x80, v3, vm0, $0xb8;
	[tilespmem:$0x10180] =	vst v63  }
0x62: {  	s21 =	rddreg [dreg:$0xb]  }
0x63: {  	[tilespmem:s21], [sflag:$0x2] =	stream.indirect_vreg.gather [hbm4b:s5+s3], $0x80, v3, vm0, $0xb8;
	[tilespmem:$0x10180] =	vst v63  }
0x64: {  	s20 =	rddreg [dreg:$0xc]  }
0x65: {  	[tilespmem:s20], [sflag:$0x2] =	stream.indirect_vreg.gather [hbm4b:s6+s3], $0x80, v3, vm0, $0xb8;
	[tilespmem:$0x10180] =	vst v63  }
0x66: {  	s21 =	rddreg [dreg:$0xd]  }
0x67: {  	[tilespmem:s21], [sflag:$0x2] =	stream.indirect_vreg.gather [hbm4b:s7+s3], $0x80, v3, vm0, $0xb8;
	[tilespmem:$0x10180] =	vst v63  }
0x68: {  	s20 =	rddreg [dreg:$0xe]  }
0x69: {  	[tilespmem:s20], [sflag:$0x2] =	stream.indirect_vreg.gather [hbm4b:s8+s3], $0x80, v3, vm0, $0xb8;
	[tilespmem:$0x10180] =	vst v63  }
0x6a: {  	s21 =	rddreg [dreg:$0xf]  }
0x6b: {  	[tilespmem:s21], [sflag:$0x2] =	stream.indirect_vreg.gather [hbm4b:s9+s3], $0x80, v3, vm0, $0xb8;
	[tilespmem:$0x10180] =	vst v63  }
0x6c: {  	s20 =	rddreg [dreg:$0x10]  }
0x6d: {  	[tilespmem:s20], [sflag:$0x2] =	stream.indirect_vreg.gather [hbm4b:s10+s3], $0x80, v3, vm0, $0xb8;
	[tilespmem:$0x10180] =	vst v63  }
0x6e: {  	s21 =	rddreg [dreg:$0x11]  }
0x6f: {  	[tilespmem:s21], [sflag:$0x2] =	stream.indirect_vreg.gather [hbm4b:s11+s3], $0x80, v3, vm0, $0xb8;
	[tilespmem:$0x10180] =	vst v63  }
0x70: {  	_ =	swait.ge [sflag:s4], $0x8000  }
0x71: {  	[sflag:s4] =	ssyncset.done $0x0  }
0x72: {  	[sflag:s4] =	ssyncadd.s32 $0xFFFF8000  }
0x73: {  	[hbm4b:s18+s3] =	stream.linear.scatter [tilespmem:s16], [sflag:$0x3], $0x8000, $0x38;
	[tilespmem:$0x10180] =	vst v63  }
0x74: {  	_ =	swait.ge [sflag:s15], $0x8000  }
0x75: {  	s21 =	smin.u32 s17, $0x15;
	[sflag:s15] =	ssyncset.done $0x0  }
0x76: {  	s19 =	sshll.u32 s21, $0x4;
	[sflag:s15] =	ssyncadd.s32 $0xFFFF8000  }
0x77: {  	v3 =	vld [tilespmem:s19+$0x20];
	_ =	sdelay $0x4  }
0x78: {  	v63 =	vshll.u32 v3, $0x4  }
0x79: {  	v3 =	vand.u32 $0x7, v3;
	v4 =	vand.u32 $0xFFFFFF80, v63  }
0x7a: {  	v3 =	vor.u32 v3, v4  }
0x7b: {  	v4 =	vperm.xlane v3, v0;
	_ =	sdelay $0x1  }
0x7c: {  	v4 =	vadd.s32 v1, v4;
	_ =	sdelay $0x4  }
0x7d: {  	[tilespmem:s16], [sflag:$0x1] =	stream.indirect_vreg.gather [hbm4b:s2+s3], $0x80, v4, vm0, $0xb8;
	[tilespmem:$0x10180] =	vst v63  }
0x7e: {  	s19 =	simm.s32 $0x980  }
0x7f: {  	[tilespmem:s19], [sflag:$0x1] =	stream.indirect_vreg.gather [hbm4b:s5+s3], $0x80, v4, vm0, $0xb8;
	[tilespmem:$0x10180] =	vst v63  }
0x80: {  	s20 =	simm.s32 $0x1180  }
0x81: {  	[tilespmem:s20], [sflag:$0x1] =	stream.indirect_vreg.gather [hbm4b:s6+s3], $0x80, v4, vm0, $0xb8;
	[tilespmem:$0x10180] =	vst v63  }
0x82: {  	s21 =	simm.s32 $0x1980  }
0x83: {  	[tilespmem:s21], [sflag:$0x1] =	stream.indirect_vreg.gather [hbm4b:s7+s3], $0x80, v4, vm0, $0xb8;
	[tilespmem:$0x10180] =	vst v63  }
0x84: {  	_ = 	snop  }
0x85: {  	[tilespmem:s22], [sflag:$0x1] =	stream.indirect_vreg.gather [hbm4b:s8+s3], $0x80, v4, vm0, $0xb8;
	[tilespmem:$0x10180] =	vst v63  }
0x86: {  	v3 =	vperm.xlane v3, v2  }
0x87: {  	[tilespmem:s23], [sflag:$0x1] =	stream.indirect_vreg.gather [hbm4b:s9+s3], $0x80, v4, vm0, $0xb8;
	[tilespmem:$0x10180] =	vst v63  }
0x88: {  	v3 =	vadd.s32 v1, v3;
	s21 =	simm.s32 $0x3180  }
0x89: {  	[tilespmem:s21], [sflag:$0x1] =	stream.indirect_vreg.gather [hbm4b:s10+s3], $0x80, v4, vm0, $0xb8;
	[tilespmem:$0x10180] =	vst v63  }
0x8a: {  	_ = 	snop  }
0x8b: {  	[tilespmem:s25], [sflag:$0x1] =	stream.indirect_vreg.gather [hbm4b:s11+s3], $0x80, v4, vm0, $0xb8;
	[tilespmem:$0x10180] =	vst v63  }
0x8c: {  	_ = 	snop  }
0x8d: {  	[tilespmem:s26], [sflag:$0x1] =	stream.indirect_vreg.gather [hbm4b:s2+s3], $0x80, v3, vm0, $0xb8;
	[tilespmem:$0x10180] =	vst v63  }
0x8e: {  	_ = 	snop  }
0x8f: {  	[tilespmem:s28], [sflag:$0x1] =	stream.indirect_vreg.gather [hbm4b:s5+s3], $0x80, v3, vm0, $0xb8;
	[tilespmem:$0x10180] =	vst v63  }
0x90: {  	_ = 	snop  }
0x91: {  	[tilespmem:s29], [sflag:$0x1] =	stream.indirect_vreg.gather [hbm4b:s6+s3], $0x80, v3, vm0, $0xb8;
	[tilespmem:$0x10180] =	vst v63  }
0x92: {  	_ = 	snop  }
0x93: {  	[tilespmem:s30], [sflag:$0x1] =	stream.indirect_vreg.gather [hbm4b:s7+s3], $0x80, v3, vm0, $0xb8;
	[tilespmem:$0x10180] =	vst v63  }
0x94: {  	s21 =	simm.s32 $0x6180  }
0x95: {  	[tilespmem:s21], [sflag:$0x1] =	stream.indirect_vreg.gather [hbm4b:s8+s3], $0x80, v3, vm0, $0xb8;
	[tilespmem:$0x10180] =	vst v63  }
0x96: {  	_ = 	snop  }
0x97: {  	[tilespmem:s1], [sflag:$0x1] =	stream.indirect_vreg.gather [hbm4b:s9+s3], $0x80, v3, vm0, $0xb8;
	[tilespmem:$0x10180] =	vst v63  }
0x98: {  	_ = 	snop  }
0x99: {  	[tilespmem:s24], [sflag:$0x1] =	stream.indirect_vreg.gather [hbm4b:s10+s3], $0x80, v3, vm0, $0xb8;
	[tilespmem:$0x10180] =	vst v63  }
0x9a: {  	_ = 	snop  }
0x9b: {  	[tilespmem:s31], [sflag:$0x1] =	stream.indirect_vreg.gather [hbm4b:s11+s3], $0x80, v3, vm0, $0xb8;
	[tilespmem:$0x10180] =	vst v63  }
0x9c: {  	_ =	swait.ge [sflag:s12], $0x8000  }
0x9d: {  	p0 =	sne.s32 s17, $0x16;
	[sflag:s12] =	ssyncset.done $0x0  }
.Ltmp0:
0x9e: {  	[sflag:s12] =	ssyncadd.s32 $0xFFFF8000;
	(pc) =	sbr.rel @p0 .LBB2_2-.Ltmp0, $4  }
0x9f: {  	[hbm4b:s13+s3] =	stream.linear.scatter [tilespmem:s0], [sflag:$0x3], $0x8000, $0x38;
	[tilespmem:$0x10180] =	vst v63  }
0xa0: {  	_ =	swait.ge [sflag:s15], $0x8000  }
0xa1: {  	s14 =	sadd.s32 $0x20, s14;
	s17 =	sadd.s32 $0x2, s17;
	[sflag:s15] =	ssyncset.done $0x0  }
0xa2: {  	s18 =	sadd.s32 $0x2000, s18;
	s13 =	sadd.s32 $0x2000, s13;
	[sflag:s15] =	ssyncadd.s32 $0xFFFF8000  }
0xa3: {  	_ =	swait.ge [sflag:s4], $0x8000  }
0xa4: {  	s31 =	rddreg [dreg:$0x16]  }
0xa5: {  	s13 =	rddreg [dreg:$0x13];
	s31 =	sadd.s32 $0x1, s31  }
0xa6: {  	s14 =	simm.s32 $0x1980;
	p0 =	sne.s32 s31, s13  }
.Ltmp1:
0xa7: {  	s17 =	simm.s32 $0x2180;
	s18 =	simm.s32 $0x2980;
	(pc) =	sbr.rel @p0 .LBB2_1-.Ltmp1, $4  }
0xa8: {  	s21 =	simm.s32 $0x3180;
	s22 =	simm.s32 $0x3980;
	s23 =	simm.s32 $0x4180  }
0xa9: {  	s24 =	simm.s32 $0x4980;
	s25 =	simm.s32 $0x5180;
	s26 =	simm.s32 $0x5980  }
0xaa: {  	s28 =	simm.s32 $0x6180;
	s1 =	simm.s32 $0x6980;
	[sflag:s4] =	ssyncset.done $0x0  }
0xab: {  	s29 =	simm.s32 $0x7180;
	s30 =	simm.s32 $0x7980;
	[sflag:s4] =	ssyncadd.s32 $0xFFFF8000  }
0xac: {  	_ =	sfence.sel $0x180000  }
0xad: {  	[bflag:$0x0] =	sbarrier.arrive $0xFFFF  }
0xae: {  	_ =	strace $0x90000047  }
0xaf: {  	s0 =	stileid.u32;
	[bflag:$0x2] =	sbarrier.arrive $0xFFFF  }
0xb0: {  	p0 =	sne.s32 s0, $0x0;
	s0 =	rddreg [dreg:$0x2]  }
0xb1: {  	s0 =	sadd.s32 @!p0 $0x100000, s0  }
0xb2: {  	[sflag:s0] =	ssyncadd.tile.s32 @!p0 $0x1;
	_ =	shalt  }
.Lfunc_end2:
_tile_overlayer_lowered:
.L_overlay_start_2:
0xb3: {  	(tag) =	ssettag $0x2  }
0xb4: {  	s0 =	rddreg [dreg:$0x0];
	s2 =	stileid.u32  }
0xb5: {  	s1 =	rddreg [dreg:$0x1];
	p0 =	sne.s32 s2, $0x0  }
0xb6: {  	s3 =	rddreg [dreg:$0x2];
	[bflag:$0x3] =	sbarrier.arrive $0xFFFF;
	s2 =	simm.s32 @!p0 $0x1C03  }
0xb7: {  	[timem:s3], [sflag:s2] =	dma.local @!p0 [hbm:s0], s1  }
0xb8: {  	s0 =	simm.s32 @!p0 $0x3  }
0xb9: {  	_ =	swait.ge @!p0 [sflag:s0], s1  }
0xba: {  	s1 =	ssub.s32 @!p0 $0x0, s1;
	[sflag:s0] =	ssyncset.done @!p0 $0x0  }
0xbb: {  	[sflag:s0] =	ssyncadd.s32 @!p0 s1  }
0xbc: {  	[bflag:$0x3] =	sbarrier.arrive $0xFFFF  }
0xbd: {  	_ =	shalt  }

// kernel: kernel.9.cloned.1.call-start
scs
__scs_entry_jumppad:
0x0: {  	(pc) =	sbr.rel $0x88, $3  }
0x1: {  	(tag) =	ssettag $0x0;
	lr =	simm.s32 $0x1  }
0x2: {  	[smem:$0x3F9C] =	sst lr;
	_ =	strace $0xD0000000  }
0x3: {  	_ = 	snop  }
0x4: {  	_ = 	snop  }
0x5: {  	_ = 	snop  }
0x6: {  	_ = 	snop  }
0x7: {  	_ = 	snop  }
__scs_overlays_trampoline_lowered:
0x8: {  	[smem:$0x3FAB] =	sst s0  }
0x9: {  	[smem:$0x3FAC] =	sst s1  }
0xa: {  	[smem:$0x3FAD] =	sst s2  }
0xb: {  	[smem:$0x3FAE] =	sst s3  }
0xc: {  	[smem:$0x3FAF] =	sst s4  }
0xd: {  	[smem:$0x3FB0] =	sst s5  }
0xe: {  	[smem:$0x3FB1] =	sst s6  }
0xf: {  	[smem:$0x3FB2] =	sst s7  }
0x10: {  	[smem:$0x3FB3] =	sst s8  }
0x11: {  	[smem:$0x3FB4] =	sst s9;
	s0 =	simm.s32 @!p0 $0x0  }
0x12: {  	s1 =	sld [smem:$0x3F9A];
	s0 =	simm.s32 @p0 $0x1  }
0x13: {  	[smem:$0x3FB5] =	sst s0;
	s0 =	simm.s32 @!p1 $0x0  }
0x14: {  	s2 =	sld [smem:$0x3F99];
	s0 =	simm.s32 @p1 $0x1  }
0x15: {  	[smem:$0x3FB6] =	sst s0;
	s0 =	simm.s32 @!p2 $0x0  }
0x16: {  	s3 =	sld [smem:$0x3FDB];
	s0 =	simm.s32 @p2 $0x1  }
0x17: {  	s4 =	simm.s32 $0x1BF5;
	[smem:$0x3FB8] =	sst s0  }
0x18: {  	s0 =	sld [smem:$0x3F9B];
	_ =	swait.ge [sflag:s4], $0x0  }
0x19: {  	s7 =	sld [smem:$0x3F9C]  }
0x1a: {  	s8 =	sadd.s32 $0xFFFFE003, lr  }
0x1b: {  	s9 =	sadd.s32 $0xFFFFFEF7, lr;
	s5 =	simm.s32 $0xFFFFFFFF;
	p2 =	slt.u32 s8, $0xFFFFF086  }
0x1c: {  	p1 =	slt.u32 s9, $0xF7A;
	s5 =	simm.s32 @!p2 $0x0  }
0x1d: {  	s5 =	simm.s32 @p1 $0x1;
	p0 =	seq.s32 s7, s2  }
0x1e: {  	s7 =	smul.u32 @!p0 $0xF7A, s2;
	p2 =	seq.s32 @!p0 s5, $0x0  }
0x1f: {  	s9 =	smul.u32 $0xF7A, s1;
	s8 =	simm.s32 @!p0 $0x1BF5;
	p2 =	por !p2, p0  }
0x20: {  	[sflag:s8] =	ssyncset.s32 @!p0 $0xFFFFF086;
	s6 =	sadd.s32 @!p0 s3, s7;
	s7 =	simm.s32 @!p0 $0x108  }
0x21: {  	s3 =	sadd.s32 s3, s9;
	s6 =	sadd.s32 @!p0 $0x88, s6;
	s7 =	simm.s32 @p2 $0x1082  }
0x22: {  	[simem:s7], [sflag:s8] =	dma.local @!p0 [hbm:s6], $0xF7A  }
0x23: {  	s9 =	sor.u32 $0xD0000000, s2;
	s6 =	simm.s32 $0x108;
	_ =	swait.ge @!p0 [sflag:s8], $0x0  }
0x24: {  	s3 =	sadd.s32 $0x88, s3;
	s6 =	simm.s32 @!p1 $0x1082;
	[sflag:s4] =	ssyncset.s32 $0xFFFFF086  }
0x25: {  	[simem:s6], [sflag:s4] =	dma.local [hbm:s3], $0xF7A  }
0x26: {  	[smem:$0x3F9C] =	sst s1;
	(tag) =	ssettag s2;
	_ =	strace s9  }
0x27: {  	s1 =	sld [smem:$0x3FAC]  }
0x28: {  	s2 =	sld [smem:$0x3FAD]  }
0x29: {  	s4 =	sld [smem:$0x3FAF]  }
0x2a: {  	p0 =	seq.s32 s5, $0x0;
	s5 =	sld [smem:$0x3FB0]  }
0x2b: {  	s6 =	sld [smem:$0x3FB1]  }
0x2c: {  	s7 =	sld [smem:$0x3FB2]  }
0x2d: {  	s3 =	simm.s32 $0x108;
	s8 =	sld [smem:$0x3FB3]  }
0x2e: {  	s3 =	simm.s32 @!p0 $0x1082;
	s9 =	sld [smem:$0x3FB4]  }
0x2f: {  	lr =	sadd.s32 s0, s3;
	s0 =	sld [smem:$0x3FAB]  }
0x30: {  	s3 =	sld [smem:$0x3FAE]  }
0x31: {  	[smem:$0x3FB7] =	sst s10  }
0x32: {  	s10 =	sld [smem:$0x3FB5];
	_ =	sdelay $0x3  }
0x33: {  	p0 =	seq.s32 s10, $0x1;
	s10 =	sld [smem:$0x3FB7];
	_ =	sdelay $0x3  }
0x34: {  	[smem:$0x3FB7] =	sst s10  }
0x35: {  	s10 =	sld [smem:$0x3FB6];
	_ =	sdelay $0x3  }
0x36: {  	p1 =	seq.s32 s10, $0x1;
	s10 =	sld [smem:$0x3FB7];
	_ =	sdelay $0x3  }
0x37: {  	[smem:$0x3FB7] =	sst s10  }
0x38: {  	s10 =	sld [smem:$0x3FB8]  }
0x39: {  	_ = 	snop;
	(pc) =	sbr.ind lr, $3  }
0x3a: {  	_ = 	snop  }
0x3b: {  	_ = 	snop  }
0x3c: {  	p2 =	seq.s32 s10, $0x1;
	s10 =	sld [smem:$0x3FB7]  }
0x3d: {  	_ =	shalt  }
0x3e: {  	_ =	shalt  }
0x3f: {  	_ =	shalt  }
0x40: {  	_ =	shalt  }
0x41: {  	_ =	shalt  }
0x42: {  	_ =	shalt  }
0x43: {  	_ =	shalt  }
0x44: {  	_ =	shalt  }
0x45: {  	_ =	shalt  }
0x46: {  	_ =	shalt  }
0x47: {  	_ =	shalt  }
0x48: {  	_ =	shalt  }
0x49: {  	_ =	shalt  }
0x4a: {  	_ =	shalt  }
0x4b: {  	_ =	shalt  }
0x4c: {  	_ =	shalt  }
0x4d: {  	_ =	shalt  }
0x4e: {  	_ =	shalt  }
0x4f: {  	_ =	shalt  }
0x50: {  	_ =	shalt  }
0x51: {  	_ =	shalt  }
0x52: {  	_ =	shalt  }
0x53: {  	_ =	shalt  }
0x54: {  	_ =	shalt  }
0x55: {  	_ =	shalt  }
0x56: {  	_ =	shalt  }
0x57: {  	_ =	shalt  }
0x58: {  	_ =	shalt  }
0x59: {  	_ =	shalt  }
0x5a: {  	_ =	shalt  }
0x5b: {  	_ =	shalt  }
0x5c: {  	_ =	shalt  }
0x5d: {  	_ =	shalt  }
0x5e: {  	_ =	shalt  }
0x5f: {  	_ =	shalt  }
0x60: {  	_ =	shalt  }
0x61: {  	_ =	shalt  }
0x62: {  	_ =	shalt  }
0x63: {  	_ =	shalt  }
0x64: {  	_ =	shalt  }
0x65: {  	_ =	shalt  }
0x66: {  	_ =	shalt  }
0x67: {  	_ =	shalt  }
0x68: {  	_ =	shalt  }
0x69: {  	_ =	shalt  }
0x6a: {  	_ =	shalt  }
0x6b: {  	_ =	shalt  }
0x6c: {  	_ =	shalt  }
0x6d: {  	_ =	shalt  }
0x6e: {  	_ =	shalt  }
0x6f: {  	_ =	shalt  }
0x70: {  	_ =	shalt  }
0x71: {  	_ =	shalt  }
0x72: {  	_ =	shalt  }
0x73: {  	_ =	shalt  }
0x74: {  	_ =	shalt  }
0x75: {  	_ =	shalt  }
0x76: {  	_ =	shalt  }
0x77: {  	_ =	shalt  }
0x78: {  	_ =	shalt  }
0x79: {  	_ =	shalt  }
0x7a: {  	_ =	shalt  }
0x7b: {  	_ =	shalt  }
0x7c: {  	_ =	shalt  }
0x7d: {  	_ =	shalt  }
0x7e: {  	_ =	shalt  }
0x7f: {  	_ =	shalt  }
0x80: {  	_ =	shalt  }
0x81: {  	_ =	shalt  }
0x82: {  	_ =	shalt  }
0x83: {  	_ =	shalt  }
0x84: {  	_ =	shalt  }
0x85: {  	_ =	shalt  }
0x86: {  	_ =	shalt  }
0x87: {  	_ =	shalt  }
.Lfunc_end0:
.L_simem_size_0:
called_computation.1_lowered:
.L_overlay_start_0:
0x88: {  	s2 =	sld [smem:$0x3FD9]  }
0x89: {  	s3 =	sld [smem:$0x3FFE];
	_ =	sdelay $0x1  }
0x8a: {  	s1 =	srdreg.scid  }
0x8b: {  	s0 =	sand.u32 $0x1, s1  }
0x8c: {  	s17 =	sshll.u32 s0, $0xA;
	s2 =	sadd.s32 s3, s2  }
0x8d: {  	s2 =	sadd.s32 s2, s17  }
0x8e: {  	[smem:$0x3FC3] =	sst s2  }
0x8f: {  	_ = 	snop  }
0x90: {  	s2 =	sld [smem:$0x3FD0];
	(tm) =	ssettm $0x1  }
0x91: {  	s18 =	sld [smem:$0x3FFB];
	_ =	sdelay $0x3  }
0x92: {  	_ =	strace s18  }
0x93: {  	s3 =	sld [smem:$0x3FFC];
	_ =	sdelay $0x3  }
0x94: {  	_ =	strace s3  }
0x95: {  	s3 =	sld [smem:$0x3FFD];
	_ =	sdelay $0x3  }
0x96: {  	_ =	strace s3  }
0x97: {  	_ =	strace $0x8FFFFFFF  }
0x98: {  	s19 =	sld [smem:$0x3FDB];
	_ =	sdelay $0x1  }
0x99: {  	s4 =	simm.s32 $_scs_section_size  }
0x9a: {  	s5 =	simm.s32 $_size__tile_overlayer_lowered;
	s6 =	simm.s32 $_tile_overlayer_lowered  }
0x9b: {  	s22 =	simm.s32 $0x1BFF;
	s21 =	sshll.u32 s6, $0x1;
	s3 =	sadd.s32 s4, s19  }
0x9c: {  	s7 =	simm.s32 $0x0;
	s20 =	sshll.u32 s5, $0x1;
	s5 =	sadd.s32 s21, s3  }
0x9d: {  	[timem:s7], [sflag:s22] =	dma.local [hbm:s5], s20  }
0x9e: {  	_ =	swait.ge [sflag:s22], s20  }
0x9f: {  	s4 =	ssub.s32 $0x0, s20;
	[sflag:s22] =	ssyncset.done $0x0  }
0xa0: {  	[sflag:s22] =	ssyncadd.s32 s4;
	_ =	sdelay $0x1  }
0xa1: {  	s23 =	simm.s32 $0x1B8B  }
0xa2: {  	_ =	swait.ge [sflag:s23], $0x1  }
0xa3: {  	[sflag:s23] =	ssyncset.done $0x0  }
0xa4: {  	s25 =	simm.s32 $0x1B8E;
	s24 =	sld [smem:$0x3FFE];
	[sflag:s23] =	ssyncadd.s32 $0xFFFFFFFF  }
0xa5: {  	s26 =	simm.s32 $execute0_lowered;
	[smem:$0x3FD2] =	sst s25  }
0xa6: {  	s5 =	sshll.u32 s26, $0x1;
	_ =	strace $0x80000049;
	[dreg:$0x1] =	wrdreg $0xFFFFFFFF  }
0xa7: {  	s28 =	simm.s32 $_size_execute0_lowered;
	s3 =	sadd.s32 s3, s5;
	[dreg:$0x0] =	wrdreg $0x0  }
0xa8: {  	s5 =	sshll.u32 s28, $0x1;
	[dreg:$0x2] =	wrdreg s3  }
0xa9: {  	[dreg:$0x3] =	wrdreg s5  }
0xaa: {  	[dreg:$0x4] =	wrdreg $0xC0  }
0xab: {  	_ =	task [dreg:s7], $0x5FFFF  }
0xac: {  	[dreg:$0x1] =	wrdreg $0xFFFFFFFF  }
0xad: {  	[dreg:$0x0] =	wrdreg $0x60  }
0xae: {  	[dreg:$0x2] =	wrdreg s24  }
0xaf: {  	[dreg:$0x3] =	wrdreg s2  }
0xb0: {  	[dreg:$0x4] =	wrdreg $0x9  }
0xb1: {  	_ =	task.clear_ibuf [dreg:s7], $0x5FFFF;
	_ =	strace $0x90000049  }
0xb2: {  	s29 =	simm.s32 $0x9;
	_ =	strace $0x8000004B  }
0xb3: {  	_ =	swait.ge [sflag:s29], $0x1  }
0xb4: {  	[sflag:s29] =	ssyncadd.s32 $0xFFFFFFFF  }
0xb5: {  	_ =	strace $0x9000004B  }
0xb6: {  	_ =	sfence  }
0xb7: {  	s30 =	sld [smem:$0x0];
	_ =	sdelay $0x2  }
0xb8: {  	s31 =	sshll.u32 s1, $0xD;
	s1 =	sshrl.u32 s1, $0x2  }
0xb9: {  	s3 =	sand.u32 $0x4000, s31;
	s1 =	sadd.s32 s1, s30  }
0xba: {  	s0 =	sor.u32 s3, s0;
	s1 =	sshll.u32 s1, $0x11  }
0xbb: {  	s0 =	sor.u32 s1, s0  }
0xbc: {  	s0 =	sadd.s32 $0x8F2B, s0  }
0xbd: {  	[sflag:s0] =	ssyncadd.remote.s32 $0x1  }
0xbe: {  	_ =	sfence.sel $0xFFFF  }
0xbf: {  	[dreg:$0x0] =	wrdreg $0xFFFFFFFF;
	(pc) =	sbr.abs _section_cstart, $3  }
0xc0: {  	[dreg:$0x1] =	wrdreg $0xFFFFFFFF  }
0xc1: {  	_ =	task.clear_ibuf [dreg:s7], $0x2FFFF;
	_ =	strace $0x9FFFFFFF  }
0xc2: {  	(tm) =	ssettm $0x7FFFFFFF  }
0xc3: {  	_ =	shalt  }
tec
execute0_lowered:
.L_overlay_start_1:
0x0: {  	(tag) =	ssettag $0x1  }
0x1: {  	s0 =	rddreg [dreg:$0x0];
	s2 =	simm.s32 $0x0;
	s1 =	srdreg.scid  }
0x2: {  	s7 =	stileid.u32;
	s16 =	simm.s32 $0x3;
	s18 =	simm.s32 $0x100  }
0x3: {  	s28 =	simm.s32 $0xD900;
	s29 =	simm.s32 $0xE100;
	s30 =	simm.s32 $0xE900  }
0x4: {  	s31 =	simm.s32 $0xF100;
	[smem:$0x7FF] =	sst s2;
	s4 =	sadd.s32 $0x300800, s0  }
0x5: {  	s15 =	simm.s32 $0x2;
	s5 =	sadd.s32 $0x300A00, s0;
	s6 =	sadd.s32 $0x300E00, s0  }
0x6: {  	s25 =	sshll.u32 s7, $0x8;
	s7 =	sadd.s32 $0x300F00, s0;
	s8 =	sadd.s32 $0x301000, s0  }
0x7: {  	s1 =	sand.u32 $0x1, s1;
	s9 =	sadd.s32 $0x301100, s0;
	s10 =	sadd.s32 $0x301200, s0  }
0x8: {  	s12 =	sadd.s32 $0x301300, s0;
	s13 =	sadd.s32 $0x301400, s0;
	s24 =	ssub.s32 $0x2, s1  }
0x9: {  	s14 =	sadd.s32 $0x301500, s0;
	s0 =	simm.s32 $0xF900;
	s3 =	sshrl.u32 s24, $0x1  }
0xa: {  	v2 =	vlaneseq.u32;
	_ =	strace $0x8000004A;
	s1 =	sshll.u32 s1, $0x7;
	s2 =	ssub.s32 s24, s3  }
0xb: {  	vm0 =	vmmov $0xffff;
	v1 =	vshrl.u32 v2, $0x3;
	s11 =	sor.u32 s1, s25;
	s3 =	simm.s32 $0x1;
	s26 =	smax.u32 s2, $0x1  }
0xc: {  	v0 =	vand.u32 $0x7, v2;
	v2 =	vor.u32 $0x8, v2;
	v1 =	vmul.u32 $0x8, v1;
	s2 =	simm.s32 $0x0;
	[dreg:$0x3] =	wrdreg s26;
	s26 =	simm.s32 $0xD100  }
.LBB2_1:
0xd: {  	[dreg:$0x4] =	wrdreg s2;
	s1 =	simm.s32 $0x0  }
.LBB2_2:
0xe: {  	s2 =	sshll.u32 s1, $0x4  }
0xf: {  	s2 =	sadd.s32 s11, s2  }
0x10: {  	s19 =	sshrl.u32 s2, $0x3  }
0x11: {  	s17 =	simm.s32 $0x0;
	s20 =	sadd.s32 s4, s19  }
0x12: {  	[tilespmem:s17], [sflag:$0x3] =	stream.linear.gather [hbm4b:s20+s17], $0x10, $0x38;
	[tilespmem:$0x10100] =	vst v63  }
0x13: {  	_ =	swait.ge [sflag:s16], $0x10  }
0x14: {  	[sflag:s16] =	ssyncset.done $0x0  }
0x15: {  	s23 =	simm.s32 $0x80;
	s19 =	sadd.s32 s5, s19;
	[sflag:s16] =	ssyncadd.s32 $0xFFFFFFF0  }
0x16: {  	[tilespmem:s23], [sflag:$0x3] =	stream.linear.gather [hbm4b:s19+s17], $0x10, $0x38;
	[tilespmem:$0x10100] =	vst v63  }
0x17: {  	_ =	swait.ge [sflag:s16], $0x10  }
0x18: {  	[sflag:s16] =	ssyncset.done $0x0  }
0x19: {  	[sflag:s16] =	ssyncadd.s32 $0xFFFFFFF0  }
0x1a: {  	v3 =	vld [tilespmem:$0x0];
	_ =	sdelay $0x4  }
0x1b: {  	v4 =	vshll.u32 v3, $0x4  }
0x1c: {  	v3 =	vand.u32 $0x7, v3;
	v4 =	vand.u32 $0xFFFFFF80, v4  }
0x1d: {  	v3 =	vor.u32 v3, v4  }
0x1e: {  	v4 =	vperm.xlane v3, v0;
	_ =	sdelay $0x1  }
0x1f: {  	v4 =	vadd.s32 v1, v4;
	_ =	sdelay $0x4  }
0x20: {  	[tilespmem:s18], [sflag:$0x1] =	stream.indirect_vreg.gather [hbm4b:s6+s17], $0x80, v4, vm0, $0xb8;
	[tilespmem:$0x10100] =	vst v63  }
0x21: {  	s24 =	simm.s32 $0x900  }
0x22: {  	[tilespmem:s24], [sflag:$0x1] =	stream.indirect_vreg.gather [hbm4b:s7+s17], $0x80, v4, vm0, $0xb8;
	[tilespmem:$0x10100] =	vst v63  }
0x23: {  	s25 =	simm.s32 $0x1100  }
0x24: {  	[tilespmem:s25], [sflag:$0x1] =	stream.indirect_vreg.gather [hbm4b:s8+s17], $0x80, v4, vm0, $0xb8;
	[tilespmem:$0x10100] =	vst v63  }
0x25: {  	s20 =	simm.s32 $0x1900  }
0x26: {  	[tilespmem:s20], [sflag:$0x1] =	stream.indirect_vreg.gather [hbm4b:s9+s17], $0x80, v4, vm0, $0xb8;
	[tilespmem:$0x10100] =	vst v63  }
0x27: {  	s21 =	simm.s32 $0x2100  }
0x28: {  	[tilespmem:s21], [sflag:$0x1] =	stream.indirect_vreg.gather [hbm4b:s10+s17], $0x80, v4, vm0, $0xb8;
	[tilespmem:$0x10100] =	vst v63  }
0x29: {  	s22 =	simm.s32 $0x2900;
	v3 =	vperm.xlane v3, v2  }
0x2a: {  	[tilespmem:s22], [sflag:$0x1] =	stream.indirect_vreg.gather [hbm4b:s12+s17], $0x80, v4, vm0, $0xb8;
	[tilespmem:$0x10100] =	vst v63  }
0x2b: {  	s23 =	simm.s32 $0x3100;
	v3 =	vadd.s32 v1, v3  }
0x2c: {  	[tilespmem:s23], [sflag:$0x1] =	stream.indirect_vreg.gather [hbm4b:s13+s17], $0x80, v4, vm0, $0xb8;
	[tilespmem:$0x10100] =	vst v63  }
0x2d: {  	s24 =	simm.s32 $0x3900  }
0x2e: {  	[tilespmem:s24], [sflag:$0x1] =	stream.indirect_vreg.gather [hbm4b:s14+s17], $0x80, v4, vm0, $0xb8;
	[tilespmem:$0x10100] =	vst v63  }
0x2f: {  	s25 =	simm.s32 $0x4100  }
0x30: {  	[tilespmem:s25], [sflag:$0x1] =	stream.indirect_vreg.gather [hbm4b:s6+s17], $0x80, v3, vm0, $0xb8;
	[tilespmem:$0x10100] =	vst v63  }
0x31: {  	s20 =	simm.s32 $0x4900  }
0x32: {  	[tilespmem:s20], [sflag:$0x1] =	stream.indirect_vreg.gather [hbm4b:s7+s17], $0x80, v3, vm0, $0xb8;
	[tilespmem:$0x10100] =	vst v63  }
0x33: {  	s21 =	simm.s32 $0x5100  }
0x34: {  	[tilespmem:s21], [sflag:$0x1] =	stream.indirect_vreg.gather [hbm4b:s8+s17], $0x80, v3, vm0, $0xb8;
	[tilespmem:$0x10100] =	vst v63  }
0x35: {  	s22 =	simm.s32 $0x5900  }
0x36: {  	[tilespmem:s22], [sflag:$0x1] =	stream.indirect_vreg.gather [hbm4b:s9+s17], $0x80, v3, vm0, $0xb8;
	[tilespmem:$0x10100] =	vst v63  }
0x37: {  	s23 =	simm.s32 $0x6100  }
0x38: {  	[tilespmem:s23], [sflag:$0x1] =	stream.indirect_vreg.gather [hbm4b:s10+s17], $0x80, v3, vm0, $0xb8;
	[tilespmem:$0x10100] =	vst v63  }
0x39: {  	s24 =	simm.s32 $0x6900  }
0x3a: {  	[tilespmem:s24], [sflag:$0x1] =	stream.indirect_vreg.gather [hbm4b:s12+s17], $0x80, v3, vm0, $0xb8;
	[tilespmem:$0x10100] =	vst v63  }
0x3b: {  	s25 =	simm.s32 $0x7100  }
0x3c: {  	[tilespmem:s25], [sflag:$0x1] =	stream.indirect_vreg.gather [hbm4b:s13+s17], $0x80, v3, vm0, $0xb8;
	[tilespmem:$0x10100] =	vst v63  }
0x3d: {  	s20 =	simm.s32 $0x7900  }
0x3e: {  	[tilespmem:s20], [sflag:$0x1] =	stream.indirect_vreg.gather [hbm4b:s14+s17], $0x80, v3, vm0, $0xb8;
	[tilespmem:$0x10100] =	vst v63  }
0x3f: {  	v3 =	vld [tilespmem:$0x80];
	_ =	sdelay $0x4  }
0x40: {  	v4 =	vshll.u32 v3, $0x4  }
0x41: {  	v3 =	vand.u32 $0x7, v3;
	v4 =	vand.u32 $0xFFFFFF80, v4  }
0x42: {  	v3 =	vor.u32 v3, v4  }
0x43: {  	v4 =	vperm.xlane v3, v0;
	_ =	sdelay $0x1  }
0x44: {  	v4 =	vadd.s32 v1, v4;
	_ =	sdelay $0x3  }
0x45: {  	s21 =	simm.s32 $0x8100  }
0x46: {  	[tilespmem:s21], [sflag:$0x2] =	stream.indirect_vreg.gather [hbm4b:s6+s17], $0x80, v4, vm0, $0xb8;
	[tilespmem:$0x10100] =	vst v63  }
0x47: {  	s22 =	simm.s32 $0x8900  }
0x48: {  	[tilespmem:s22], [sflag:$0x2] =	stream.indirect_vreg.gather [hbm4b:s7+s17], $0x80, v4, vm0, $0xb8;
	[tilespmem:$0x10100] =	vst v63  }
0x49: {  	s23 =	simm.s32 $0x9100  }
0x4a: {  	[tilespmem:s23], [sflag:$0x2] =	stream.indirect_vreg.gather [hbm4b:s8+s17], $0x80, v4, vm0, $0xb8;
	[tilespmem:$0x10100] =	vst v63  }
0x4b: {  	s24 =	simm.s32 $0x9900  }
0x4c: {  	[tilespmem:s24], [sflag:$0x2] =	stream.indirect_vreg.gather [hbm4b:s9+s17], $0x80, v4, vm0, $0xb8;
	[tilespmem:$0x10100] =	vst v63  }
0x4d: {  	s25 =	simm.s32 $0xA100  }
0x4e: {  	[tilespmem:s25], [sflag:$0x2] =	stream.indirect_vreg.gather [hbm4b:s10+s17], $0x80, v4, vm0, $0xb8;
	[tilespmem:$0x10100] =	vst v63  }
0x4f: {  	s20 =	simm.s32 $0xA900;
	v3 =	vperm.xlane v3, v2  }
0x50: {  	[tilespmem:s20], [sflag:$0x2] =	stream.indirect_vreg.gather [hbm4b:s12+s17], $0x80, v4, vm0, $0xb8;
	[tilespmem:$0x10100] =	vst v63  }
0x51: {  	v3 =	vadd.s32 v1, v3;
	s21 =	simm.s32 $0xB100  }
0x52: {  	[tilespmem:s21], [sflag:$0x2] =	stream.indirect_vreg.gather [hbm4b:s13+s17], $0x80, v4, vm0, $0xb8;
	[tilespmem:$0x10100] =	vst v63  }
0x53: {  	s22 =	simm.s32 $0xB900  }
0x54: {  	[tilespmem:s22], [sflag:$0x2] =	stream.indirect_vreg.gather [hbm4b:s14+s17], $0x80, v4, vm0, $0xb8;
	[tilespmem:$0x10100] =	vst v63  }
0x55: {  	s23 =	simm.s32 $0xC100  }
0x56: {  	[tilespmem:s23], [sflag:$0x2] =	stream.indirect_vreg.gather [hbm4b:s6+s17], $0x80, v3, vm0, $0xb8;
	[tilespmem:$0x10100] =	vst v63  }
0x57: {  	s24 =	simm.s32 $0xC900  }
0x58: {  	[tilespmem:s24], [sflag:$0x2] =	stream.indirect_vreg.gather [hbm4b:s7+s17], $0x80, v3, vm0, $0xb8;
	[tilespmem:$0x10100] =	vst v63  }
0x59: {  	_ = 	snop  }
0x5a: {  	[tilespmem:s26], [sflag:$0x2] =	stream.indirect_vreg.gather [hbm4b:s8+s17], $0x80, v3, vm0, $0xb8;
	[tilespmem:$0x10100] =	vst v63  }
0x5b: {  	_ = 	snop  }
0x5c: {  	[tilespmem:s28], [sflag:$0x2] =	stream.indirect_vreg.gather [hbm4b:s9+s17], $0x80, v3, vm0, $0xb8;
	[tilespmem:$0x10100] =	vst v63  }
0x5d: {  	_ = 	snop  }
0x5e: {  	[tilespmem:s29], [sflag:$0x2] =	stream.indirect_vreg.gather [hbm4b:s10+s17], $0x80, v3, vm0, $0xb8;
	[tilespmem:$0x10100] =	vst v63  }
0x5f: {  	_ = 	snop  }
0x60: {  	[tilespmem:s30], [sflag:$0x2] =	stream.indirect_vreg.gather [hbm4b:s12+s17], $0x80, v3, vm0, $0xb8;
	[tilespmem:$0x10100] =	vst v63  }
0x61: {  	_ = 	snop  }
0x62: {  	[tilespmem:s31], [sflag:$0x2] =	stream.indirect_vreg.gather [hbm4b:s13+s17], $0x80, v3, vm0, $0xb8;
	[tilespmem:$0x10100] =	vst v63  }
0x63: {  	_ = 	snop  }
0x64: {  	[tilespmem:s0], [sflag:$0x2] =	stream.indirect_vreg.gather [hbm4b:s14+s17], $0x80, v3, vm0, $0xb8;
	[tilespmem:$0x10100] =	vst v63  }
0x65: {  	_ =	swait.ge [sflag:s3], $0x8000  }
0x66: {  	[sflag:s3] =	ssyncset.done $0x0  }
0x67: {  	[sflag:s3] =	ssyncadd.s32 $0xFFFF8000  }
0x68: {  	_ =	swait.ge [sflag:s15], $0x8000  }
0x69: {  	s19 =	sand.u32 $0x70, s17;
	s17 =	sand.u32 $0x3C00, s17;
	[sflag:s15] =	ssyncset.done $0x0  }
0x6a: {  	s21 =	sor.u32 s19, s17;
	[sflag:s15] =	ssyncadd.s32 $0xFFFF8000  }
0x6b: {  	v3 =	vld [tilespmem:s21+$0x8100]  }
0x6c: {  	v4 =	vld [tilespmem:s21+$0x100];
	_ =	sdelay $0x3  }
0x6d: {  	s25 =	simm.s32 $0x10;
	s22 =	simm.s32 $0x80  }
0x6e: {  	s20 =	sand.u32 $0x70, s25;
	s23 =	sand.u32 $0x3C00, s22;
	v3 =	vadd.f32 v3, v4  }
0x6f: {  	s24 =	sor.u32 s20, s23;
	s23 =	simm.s32 $0x20  }
.LBB2_3:
0x70: {  	p0 =	sne.s32 s23, $0x7F0;
	v4 =	vld [tilespmem:s24+$0x8100];
	[tilespmem:s21+$0x100] =	vst v3;
	s21 =	smov.u32 s24  }
0x71: {  	v3 =	vld [tilespmem:s21+$0x100];
	_ =	sdelay $0x1  }
.Ltmp0:
0x72: {  	(pc) =	sbr.rel @p0 .LBB2_3-.Ltmp0, $4  }
0x73: {  	_ = 	snop  }
0x74: {  	s22 =	sadd.s32 $0x80, s22  }
0x75: {  	s24 =	sand.u32 $0x70, s23;
	s25 =	sand.u32 $0x3C00, s22;
	v3 =	vadd.f32 v4, v3  }
0x76: {  	s23 =	sadd.s32 $0x10, s23;
	s24 =	sor.u32 s24, s25  }
0x77: {  	v4 =	vld [tilespmem:s24+$0x8100];
	[tilespmem:s21+$0x100] =	vst v3  }
0x78: {  	v3 =	vld [tilespmem:s24+$0x100];
	_ =	sdelay $0x4  }
0x79: {  	v3 =	vadd.f32 v4, v3;
	_ =	sdelay $0x1  }
0x7a: {  	s17 =	sor.u32 s17, s19;
	[tilespmem:s24+$0x100] =	vst v3  }
0x7b: {  	v3 =	vld [tilespmem:s17+$0x8180]  }
0x7c: {  	v4 =	vld [tilespmem:s17+$0x180];
	_ =	sdelay $0x3  }
0x7d: {  	s19 =	simm.s32 $0x80  }
0x7e: {  	s25 =	sand.u32 $0x3C00, s19;
	v3 =	vadd.f32 v3, v4  }
0x7f: {  	s21 =	sor.u32 s25, s20;
	s20 =	simm.s32 $0x20  }
.LBB2_5:
0x80: {  	p0 =	sne.s32 s20, $0x7F0;
	v4 =	vld [tilespmem:s21+$0x8180];
	[tilespmem:s17+$0x180] =	vst v3;
	s17 =	smov.u32 s21  }
0x81: {  	v3 =	vld [tilespmem:s17+$0x180];
	_ =	sdelay $0x1  }
.Ltmp1:
0x82: {  	(pc) =	sbr.rel @p0 .LBB2_5-.Ltmp1, $4  }
0x83: {  	_ = 	snop  }
0x84: {  	s19 =	sadd.s32 $0x80, s19  }
0x85: {  	s21 =	sand.u32 $0x70, s20;
	s22 =	sand.u32 $0x3C00, s19;
	v3 =	vadd.f32 v4, v3  }
0x86: {  	s20 =	sadd.s32 $0x10, s20;
	s21 =	sor.u32 s22, s21  }
0x87: {  	v4 =	vld [tilespmem:s21+$0x8180];
	[tilespmem:s17+$0x180] =	vst v3  }
0x88: {  	v3 =	vld [tilespmem:s21+$0x180];
	_ =	sdelay $0x4  }
0x89: {  	s23 =	simm.s32 $0x0;
	v3 =	vadd.f32 v4, v3  }
0x8a: {  	s19 =	sand.u32 $0x70, s23;
	s17 =	sand.u32 $0x3C00, s23  }
0x8b: {  	s17 =	sor.u32 s17, s19;
	[tilespmem:s21+$0x180] =	vst v3  }
0x8c: {  	v3 =	vld [tilespmem:s17+$0x8200]  }
0x8d: {  	v4 =	vld [tilespmem:s17+$0x200];
	_ =	sdelay $0x3  }
0x8e: {  	s24 =	simm.s32 $0x10;
	s20 =	simm.s32 $0x80  }
0x8f: {  	s25 =	sand.u32 $0x3C00, s20;
	s19 =	sand.u32 $0x70, s24;
	v3 =	vadd.f32 v3, v4  }
0x90: {  	s22 =	simm.s32 $0x20;
	s23 =	sor.u32 s25, s19;
	s21 =	smov.u32 s17  }
.LBB2_7:
0x91: {  	p0 =	sne.s32 s22, $0x7F0;
	v4 =	vld [tilespmem:s23+$0x8200];
	[tilespmem:s21+$0x200] =	vst v3;
	s21 =	smov.u32 s23  }
0x92: {  	v3 =	vld [tilespmem:s21+$0x200];
	_ =	sdelay $0x1  }
.Ltmp2:
0x93: {  	(pc) =	sbr.rel @p0 .LBB2_7-.Ltmp2, $4  }
0x94: {  	_ = 	snop  }
0x95: {  	s20 =	sadd.s32 $0x80, s20  }
0x96: {  	s23 =	sand.u32 $0x70, s22;
	s24 =	sand.u32 $0x3C00, s20;
	v3 =	vadd.f32 v4, v3  }
0x97: {  	s22 =	sadd.s32 $0x10, s22;
	s23 =	sor.u32 s24, s23  }
0x98: {  	v4 =	vld [tilespmem:s23+$0x8200];
	[tilespmem:s21+$0x200] =	vst v3  }
0x99: {  	v3 =	vld [tilespmem:s23+$0x200];
	_ =	sdelay $0x4  }
0x9a: {  	v3 =	vadd.f32 v4, v3;
	_ =	sdelay $0x1  }
0x9b: {  	[tilespmem:s23+$0x200] =	vst v3  }
0x9c: {  	v3 =	vld [tilespmem:s17+$0x8280]  }
0x9d: {  	v4 =	vld [tilespmem:s17+$0x280];
	_ =	sdelay $0x3  }
0x9e: {  	s20 =	simm.s32 $0x80  }
0x9f: {  	s25 =	sand.u32 $0x3C00, s20;
	v3 =	vadd.f32 v3, v4  }
0xa0: {  	s21 =	sor.u32 s25, s19;
	s19 =	simm.s32 $0x20  }
.LBB2_9:
0xa1: {  	p0 =	sne.s32 s19, $0x7F0;
	v4 =	vld [tilespmem:s21+$0x8280];
	[tilespmem:s17+$0x280] =	vst v3;
	s17 =	smov.u32 s21  }
0xa2: {  	v3 =	vld [tilespmem:s17+$0x280];
	_ =	sdelay $0x1  }
.Ltmp3:
0xa3: {  	(pc) =	sbr.rel @p0 .LBB2_9-.Ltmp3, $4  }
0xa4: {  	_ = 	snop  }
0xa5: {  	s20 =	sadd.s32 $0x80, s20  }
0xa6: {  	s21 =	sand.u32 $0x70, s19;
	s22 =	sand.u32 $0x3C00, s20;
	v3 =	vadd.f32 v4, v3  }
0xa7: {  	s19 =	sadd.s32 $0x10, s19;
	s21 =	sor.u32 s22, s21  }
0xa8: {  	v4 =	vld [tilespmem:s21+$0x8280];
	[tilespmem:s17+$0x280] =	vst v3  }
0xa9: {  	v3 =	vld [tilespmem:s21+$0x280];
	_ =	sdelay $0x4  }
0xaa: {  	s23 =	simm.s32 $0x0;
	v3 =	vadd.f32 v4, v3  }
0xab: {  	s19 =	sand.u32 $0x70, s23;
	s17 =	sand.u32 $0x3C00, s23  }
0xac: {  	s17 =	sor.u32 s17, s19;
	[tilespmem:s21+$0x280] =	vst v3  }
0xad: {  	v3 =	vld [tilespmem:s17+$0x8300]  }
0xae: {  	v4 =	vld [tilespmem:s17+$0x300];
	_ =	sdelay $0x3  }
0xaf: {  	s24 =	simm.s32 $0x10;
	s20 =	simm.s32 $0x80  }
0xb0: {  	s25 =	sand.u32 $0x3C00, s20;
	s19 =	sand.u32 $0x70, s24;
	v3 =	vadd.f32 v3, v4  }
0xb1: {  	s22 =	simm.s32 $0x20;
	s23 =	sor.u32 s25, s19;
	s21 =	smov.u32 s17  }
.LBB2_11:
0xb2: {  	p0 =	sne.s32 s22, $0x7F0;
	v4 =	vld [tilespmem:s23+$0x8300];
	[tilespmem:s21+$0x300] =	vst v3;
	s21 =	smov.u32 s23  }
0xb3: {  	v3 =	vld [tilespmem:s21+$0x300];
	_ =	sdelay $0x1  }
.Ltmp4:
0xb4: {  	(pc) =	sbr.rel @p0 .LBB2_11-.Ltmp4, $4  }
0xb5: {  	_ = 	snop  }
0xb6: {  	s20 =	sadd.s32 $0x80, s20  }
0xb7: {  	s23 =	sand.u32 $0x70, s22;
	s24 =	sand.u32 $0x3C00, s20;
	v3 =	vadd.f32 v4, v3  }
0xb8: {  	s22 =	sadd.s32 $0x10, s22;
	s23 =	sor.u32 s24, s23  }
0xb9: {  	v4 =	vld [tilespmem:s23+$0x8300];
	[tilespmem:s21+$0x300] =	vst v3  }
0xba: {  	v3 =	vld [tilespmem:s23+$0x300];
	_ =	sdelay $0x4  }
0xbb: {  	v3 =	vadd.f32 v4, v3;
	_ =	sdelay $0x1  }
0xbc: {  	[tilespmem:s23+$0x300] =	vst v3  }
0xbd: {  	v3 =	vld [tilespmem:s17+$0x8380]  }
0xbe: {  	v4 =	vld [tilespmem:s17+$0x380];
	_ =	sdelay $0x3  }
0xbf: {  	s20 =	simm.s32 $0x80  }
0xc0: {  	s25 =	sand.u32 $0x3C00, s20;
	v3 =	vadd.f32 v3, v4  }
0xc1: {  	s21 =	sor.u32 s25, s19;
	s19 =	simm.s32 $0x20  }
.LBB2_13:
0xc2: {  	p0 =	sne.s32 s19, $0x7F0;
	v4 =	vld [tilespmem:s21+$0x8380];
	[tilespmem:s17+$0x380] =	vst v3;
	s17 =	smov.u32 s21  }
0xc3: {  	v3 =	vld [tilespmem:s17+$0x380];
	_ =	sdelay $0x1  }
.Ltmp5:
0xc4: {  	(pc) =	sbr.rel @p0 .LBB2_13-.Ltmp5, $4  }
0xc5: {  	_ = 	snop  }
0xc6: {  	s20 =	sadd.s32 $0x80, s20  }
0xc7: {  	s21 =	sand.u32 $0x70, s19;
	s22 =	sand.u32 $0x3C00, s20;
	v3 =	vadd.f32 v4, v3  }
0xc8: {  	s19 =	sadd.s32 $0x10, s19;
	s21 =	sor.u32 s22, s21  }
0xc9: {  	v4 =	vld [tilespmem:s21+$0x8380];
	[tilespmem:s17+$0x380] =	vst v3  }
0xca: {  	v3 =	vld [tilespmem:s21+$0x380];
	_ =	sdelay $0x4  }
0xcb: {  	s17 =	simm.s32 $0x0;
	v3 =	vadd.f32 v4, v3  }
0xcc: {  	s19 =	sand.u32 $0x70, s17;
	s20 =	sand.u32 $0x3C00, s17  }
0xcd: {  	s19 =	sor.u32 s20, s19;
	[tilespmem:s21+$0x380] =	vst v3  }
0xce: {  	v3 =	vld [tilespmem:s19+$0x8400]  }
0xcf: {  	v4 =	vld [tilespmem:s19+$0x400];
	_ =	sdelay $0x3  }
0xd0: {  	s25 =	simm.s32 $0x10;
	s20 =	simm.s32 $0x80  }
0xd1: {  	s22 =	sand.u32 $0x3C00, s20;
	s21 =	sand.u32 $0x70, s25;
	v3 =	vadd.f32 v3, v4  }
0xd2: {  	s22 =	sor.u32 s22, s21;
	s21 =	simm.s32 $0x20  }
.LBB2_15:
0xd3: {  	p0 =	sne.s32 s21, $0x7F0;
	v4 =	vld [tilespmem:s22+$0x8400];
	[tilespmem:s19+$0x400] =	vst v3;
	s19 =	smov.u32 s22  }
0xd4: {  	v3 =	vld [tilespmem:s19+$0x400];
	_ =	sdelay $0x1  }
.Ltmp6:
0xd5: {  	(pc) =	sbr.rel @p0 .LBB2_15-.Ltmp6, $4  }
0xd6: {  	_ = 	snop  }
0xd7: {  	s20 =	sadd.s32 $0x80, s20  }
0xd8: {  	s22 =	sand.u32 $0x70, s21;
	s23 =	sand.u32 $0x3C00, s20;
	v3 =	vadd.f32 v4, v3  }
0xd9: {  	s21 =	sadd.s32 $0x10, s21;
	s22 =	sor.u32 s23, s22  }
0xda: {  	v4 =	vld [tilespmem:s22+$0x8400];
	[tilespmem:s19+$0x400] =	vst v3  }
0xdb: {  	v3 =	vld [tilespmem:s22+$0x400];
	_ =	sdelay $0x3  }
0xdc: {  	s17 =	sand.u32 $0x7, s17  }
0xdd: {  	s17 =	sshll.u32 s17, $0x4;
	v3 =	vadd.f32 v4, v3  }
0xde: {  	s17 =	sadd.s32 $0x0, s17  }
0xdf: {  	s17 =	sor.u32 $0x380, s17;
	[tilespmem:s22+$0x400] =	vst v3  }
0xe0: {  	v3 =	vld [tilespmem:s17+$0x8100]  }
0xe1: {  	v4 =	vld [tilespmem:s17+$0x100];
	_ =	sdelay $0x1  }
0xe2: {  	s19 =	simm.s32 $0x1  }
0xe3: {  	s20 =	sand.u32 $0x7, s19  }
0xe4: {  	s21 =	simm.s32 $0x20;
	s22 =	sshll.u32 s20, $0x4;
	s20 =	simm.s32 $0x80  }
.LBB2_17:
0xe5: {  	p0 =	sne.s32 s21, $0x7F0;
	s22 =	sadd.s32 s22, s20;
	v4 =	vadd.f32 v3, v4  }
0xe6: {  	s22 =	sor.u32 $0x380, s22  }
0xe7: {  	v3 =	vld [tilespmem:s22+$0x8100];
	[tilespmem:s17+$0x100] =	vst v4;
	s17 =	smov.u32 s22  }
.Ltmp7:
0xe8: {  	v4 =	vld [tilespmem:s17+$0x100];
	(pc) =	sbr.rel @p0 .LBB2_17-.Ltmp7, $4  }
0xe9: {  	_ = 	snop  }
0xea: {  	s19 =	sadd.s32 $0x1, s19  }
0xeb: {  	s22 =	sand.u32 $0x7, s19  }
0xec: {  	s21 =	sadd.s32 $0x10, s21;
	s20 =	sadd.s32 $0x80, s20;
	s22 =	sshll.u32 s22, $0x4  }
0xed: {  	s19 =	sadd.s32 s22, s20;
	v3 =	vadd.f32 v3, v4  }
0xee: {  	s19 =	sor.u32 $0x380, s19  }
0xef: {  	v4 =	vld [tilespmem:s19+$0x8100];
	[tilespmem:s17+$0x100] =	vst v3  }
0xf0: {  	v3 =	vld [tilespmem:s19+$0x100];
	_ =	sdelay $0x4  }
0xf1: {  	s23 =	simm.s32 $0x0;
	v3 =	vadd.f32 v4, v3  }
0xf2: {  	s24 =	sand.u32 $0x70, s23;
	s17 =	sand.u32 $0x3C00, s23  }
0xf3: {  	s17 =	sor.u32 s17, s24;
	[tilespmem:s19+$0x100] =	vst v3  }
0xf4: {  	v3 =	vld [tilespmem:s17+$0xC100]  }
0xf5: {  	v4 =	vld [tilespmem:s17+$0x4100];
	_ =	sdelay $0x3  }
0xf6: {  	s25 =	simm.s32 $0x10;
	s20 =	simm.s32 $0x80  }
0xf7: {  	s21 =	sand.u32 $0x3C00, s20;
	s19 =	sand.u32 $0x70, s25;
	v3 =	vadd.f32 v3, v4  }
0xf8: {  	s22 =	simm.s32 $0x20;
	s23 =	sor.u32 s21, s19;
	s21 =	smov.u32 s17  }
.LBB2_19:
0xf9: {  	p0 =	sne.s32 s22, $0x7F0;
	v4 =	vld [tilespmem:s23+$0xC100];
	[tilespmem:s21+$0x4100] =	vst v3;
	s21 =	smov.u32 s23  }
0xfa: {  	v3 =	vld [tilespmem:s21+$0x4100];
	_ =	sdelay $0x1  }
.Ltmp8:
0xfb: {  	(pc) =	sbr.rel @p0 .LBB2_19-.Ltmp8, $4  }
0xfc: {  	_ = 	snop  }
0xfd: {  	s20 =	sadd.s32 $0x80, s20  }
0xfe: {  	s23 =	sand.u32 $0x70, s22;
	s24 =	sand.u32 $0x3C00, s20;
	v3 =	vadd.f32 v4, v3  }
0xff: {  	s22 =	sadd.s32 $0x10, s22;
	s23 =	sor.u32 s24, s23  }
0x100: {  	v4 =	vld [tilespmem:s23+$0xC100];
	[tilespmem:s21+$0x4100] =	vst v3  }
0x101: {  	v3 =	vld [tilespmem:s23+$0x4100];
	_ =	sdelay $0x4  }
0x102: {  	v3 =	vadd.f32 v4, v3;
	_ =	sdelay $0x1  }
0x103: {  	[tilespmem:s23+$0x4100] =	vst v3  }
0x104: {  	v3 =	vld [tilespmem:s17+$0xC180]  }
0x105: {  	v4 =	vld [tilespmem:s17+$0x4180];
	_ =	sdelay $0x3  }
0x106: {  	s20 =	simm.s32 $0x80  }
0x107: {  	s25 =	sand.u32 $0x3C00, s20;
	v3 =	vadd.f32 v3, v4  }
0x108: {  	s21 =	sor.u32 s25, s19;
	s19 =	simm.s32 $0x20  }
.LBB2_21:
0x109: {  	p0 =	sne.s32 s19, $0x7F0;
	v4 =	vld [tilespmem:s21+$0xC180];
	[tilespmem:s17+$0x4180] =	vst v3;
	s17 =	smov.u32 s21  }
0x10a: {  	v3 =	vld [tilespmem:s17+$0x4180];
	_ =	sdelay $0x1  }
.Ltmp9:
0x10b: {  	(pc) =	sbr.rel @p0 .LBB2_21-.Ltmp9, $4  }
0x10c: {  	_ = 	snop  }
0x10d: {  	s20 =	sadd.s32 $0x80, s20  }
0x10e: {  	s21 =	sand.u32 $0x70, s19;
	s22 =	sand.u32 $0x3C00, s20;
	v3 =	vadd.f32 v4, v3  }
0x10f: {  	s19 =	sadd.s32 $0x10, s19;
	s21 =	sor.u32 s22, s21  }
0x110: {  	v4 =	vld [tilespmem:s21+$0xC180];
	[tilespmem:s17+$0x4180] =	vst v3  }
0x111: {  	v3 =	vld [tilespmem:s21+$0x4180];
	_ =	sdelay $0x4  }
0x112: {  	s23 =	simm.s32 $0x0;
	v3 =	vadd.f32 v4, v3  }
0x113: {  	s19 =	sand.u32 $0x70, s23;
	s17 =	sand.u32 $0x3C00, s23  }
0x114: {  	s17 =	sor.u32 s17, s19;
	[tilespmem:s21+$0x4180] =	vst v3  }
0x115: {  	v3 =	vld [tilespmem:s17+$0xC200]  }
0x116: {  	v4 =	vld [tilespmem:s17+$0x4200];
	_ =	sdelay $0x3  }
0x117: {  	s24 =	simm.s32 $0x10;
	s20 =	simm.s32 $0x80  }
0x118: {  	s25 =	sand.u32 $0x3C00, s20;
	s19 =	sand.u32 $0x70, s24;
	v3 =	vadd.f32 v3, v4  }
0x119: {  	s22 =	simm.s32 $0x20;
	s23 =	sor.u32 s25, s19;
	s21 =	smov.u32 s17  }
.LBB2_23:
0x11a: {  	p0 =	sne.s32 s22, $0x7F0;
	v4 =	vld [tilespmem:s23+$0xC200];
	[tilespmem:s21+$0x4200] =	vst v3;
	s21 =	smov.u32 s23  }
0x11b: {  	v3 =	vld [tilespmem:s21+$0x4200];
	_ =	sdelay $0x1  }
.Ltmp10:
0x11c: {  	(pc) =	sbr.rel @p0 .LBB2_23-.Ltmp10, $4  }
0x11d: {  	_ = 	snop  }
0x11e: {  	s20 =	sadd.s32 $0x80, s20  }
0x11f: {  	s23 =	sand.u32 $0x70, s22;
	s24 =	sand.u32 $0x3C00, s20;
	v3 =	vadd.f32 v4, v3  }
0x120: {  	s22 =	sadd.s32 $0x10, s22;
	s23 =	sor.u32 s24, s23  }
0x121: {  	v4 =	vld [tilespmem:s23+$0xC200];
	[tilespmem:s21+$0x4200] =	vst v3  }
0x122: {  	v3 =	vld [tilespmem:s23+$0x4200];
	_ =	sdelay $0x4  }
0x123: {  	v3 =	vadd.f32 v4, v3;
	_ =	sdelay $0x1  }
0x124: {  	[tilespmem:s23+$0x4200] =	vst v3  }
0x125: {  	v3 =	vld [tilespmem:s17+$0xC280]  }
0x126: {  	v4 =	vld [tilespmem:s17+$0x4280];
	_ =	sdelay $0x3  }
0x127: {  	s20 =	simm.s32 $0x80  }
0x128: {  	s25 =	sand.u32 $0x3C00, s20;
	v3 =	vadd.f32 v3, v4  }
0x129: {  	s21 =	sor.u32 s25, s19;
	s19 =	simm.s32 $0x20  }
.LBB2_25:
0x12a: {  	p0 =	sne.s32 s19, $0x7F0;
	v4 =	vld [tilespmem:s21+$0xC280];
	[tilespmem:s17+$0x4280] =	vst v3;
	s17 =	smov.u32 s21  }
0x12b: {  	v3 =	vld [tilespmem:s17+$0x4280];
	_ =	sdelay $0x1  }
.Ltmp11:
0x12c: {  	(pc) =	sbr.rel @p0 .LBB2_25-.Ltmp11, $4  }
0x12d: {  	_ = 	snop  }
0x12e: {  	s20 =	sadd.s32 $0x80, s20  }
0x12f: {  	s21 =	sand.u32 $0x70, s19;
	s22 =	sand.u32 $0x3C00, s20;
	v3 =	vadd.f32 v4, v3  }
0x130: {  	s19 =	sadd.s32 $0x10, s19;
	s21 =	sor.u32 s22, s21  }
0x131: {  	v4 =	vld [tilespmem:s21+$0xC280];
	[tilespmem:s17+$0x4280] =	vst v3  }
0x132: {  	v3 =	vld [tilespmem:s21+$0x4280];
	_ =	sdelay $0x4  }
0x133: {  	s23 =	simm.s32 $0x0;
	v3 =	vadd.f32 v4, v3  }
0x134: {  	s19 =	sand.u32 $0x70, s23;
	s17 =	sand.u32 $0x3C00, s23  }
0x135: {  	s17 =	sor.u32 s17, s19;
	[tilespmem:s21+$0x4280] =	vst v3  }
0x136: {  	v3 =	vld [tilespmem:s17+$0xC300]  }
0x137: {  	v4 =	vld [tilespmem:s17+$0x4300];
	_ =	sdelay $0x3  }
0x138: {  	s24 =	simm.s32 $0x10;
	s20 =	simm.s32 $0x80  }
0x139: {  	s25 =	sand.u32 $0x3C00, s20;
	s19 =	sand.u32 $0x70, s24;
	v3 =	vadd.f32 v3, v4  }
0x13a: {  	s22 =	simm.s32 $0x20;
	s23 =	sor.u32 s25, s19;
	s21 =	smov.u32 s17  }
.LBB2_27:
0x13b: {  	p0 =	sne.s32 s22, $0x7F0;
	v4 =	vld [tilespmem:s23+$0xC300];
	[tilespmem:s21+$0x4300] =	vst v3;
	s21 =	smov.u32 s23  }
0x13c: {  	v3 =	vld [tilespmem:s21+$0x4300];
	_ =	sdelay $0x1  }
.Ltmp12:
0x13d: {  	(pc) =	sbr.rel @p0 .LBB2_27-.Ltmp12, $4  }
0x13e: {  	_ = 	snop  }
0x13f: {  	s20 =	sadd.s32 $0x80, s20  }
0x140: {  	s23 =	sand.u32 $0x70, s22;
	s24 =	sand.u32 $0x3C00, s20;
	v3 =	vadd.f32 v4, v3  }
0x141: {  	s22 =	sadd.s32 $0x10, s22;
	s23 =	sor.u32 s24, s23  }
0x142: {  	v4 =	vld [tilespmem:s23+$0xC300];
	[tilespmem:s21+$0x4300] =	vst v3  }
0x143: {  	v3 =	vld [tilespmem:s23+$0x4300];
	_ =	sdelay $0x4  }
0x144: {  	v3 =	vadd.f32 v4, v3;
	_ =	sdelay $0x1  }
0x145: {  	[tilespmem:s23+$0x4300] =	vst v3  }
0x146: {  	v3 =	vld [tilespmem:s17+$0xC380]  }
0x147: {  	v4 =	vld [tilespmem:s17+$0x4380];
	_ =	sdelay $0x3  }
0x148: {  	s20 =	simm.s32 $0x80  }
0x149: {  	s25 =	sand.u32 $0x3C00, s20;
	v3 =	vadd.f32 v3, v4  }
0x14a: {  	s21 =	sor.u32 s25, s19;
	s19 =	simm.s32 $0x20  }
.LBB2_29:
0x14b: {  	p0 =	sne.s32 s19, $0x7F0;
	v4 =	vld [tilespmem:s21+$0xC380];
	[tilespmem:s17+$0x4380] =	vst v3;
	s17 =	smov.u32 s21  }
0x14c: {  	v3 =	vld [tilespmem:s17+$0x4380];
	_ =	sdelay $0x1  }
.Ltmp13:
0x14d: {  	(pc) =	sbr.rel @p0 .LBB2_29-.Ltmp13, $4  }
0x14e: {  	_ = 	snop  }
0x14f: {  	s20 =	sadd.s32 $0x80, s20  }
0x150: {  	s21 =	sand.u32 $0x70, s19;
	s22 =	sand.u32 $0x3C00, s20;
	v3 =	vadd.f32 v4, v3  }
0x151: {  	s19 =	sadd.s32 $0x10, s19;
	s21 =	sor.u32 s22, s21  }
0x152: {  	v4 =	vld [tilespmem:s21+$0xC380];
	[tilespmem:s17+$0x4380] =	vst v3  }
0x153: {  	v3 =	vld [tilespmem:s21+$0x4380];
	_ =	sdelay $0x4  }
0x154: {  	s17 =	simm.s32 $0x0;
	v3 =	vadd.f32 v4, v3  }
0x155: {  	s19 =	sand.u32 $0x70, s17;
	s20 =	sand.u32 $0x3C00, s17  }
0x156: {  	s19 =	sor.u32 s20, s19;
	[tilespmem:s21+$0x4380] =	vst v3  }
0x157: {  	v3 =	vld [tilespmem:s19+$0xC400]  }
0x158: {  	v4 =	vld [tilespmem:s19+$0x4400];
	_ =	sdelay $0x3  }
0x159: {  	s25 =	simm.s32 $0x10;
	s20 =	simm.s32 $0x80  }
0x15a: {  	s22 =	sand.u32 $0x3C00, s20;
	s21 =	sand.u32 $0x70, s25;
	v3 =	vadd.f32 v3, v4  }
0x15b: {  	s22 =	sor.u32 s22, s21;
	s21 =	simm.s32 $0x20  }
.LBB2_31:
0x15c: {  	p0 =	sne.s32 s21, $0x7F0;
	v4 =	vld [tilespmem:s22+$0xC400];
	[tilespmem:s19+$0x4400] =	vst v3;
	s19 =	smov.u32 s22  }
0x15d: {  	v3 =	vld [tilespmem:s19+$0x4400];
	_ =	sdelay $0x1  }
.Ltmp14:
0x15e: {  	(pc) =	sbr.rel @p0 .LBB2_31-.Ltmp14, $4  }
0x15f: {  	_ = 	snop  }
0x160: {  	s20 =	sadd.s32 $0x80, s20  }
0x161: {  	s22 =	sand.u32 $0x70, s21;
	s23 =	sand.u32 $0x3C00, s20;
	v3 =	vadd.f32 v4, v3  }
0x162: {  	s21 =	sadd.s32 $0x10, s21;
	s22 =	sor.u32 s23, s22  }
0x163: {  	v4 =	vld [tilespmem:s22+$0xC400];
	[tilespmem:s19+$0x4400] =	vst v3  }
0x164: {  	v3 =	vld [tilespmem:s22+$0x4400];
	_ =	sdelay $0x3  }
0x165: {  	s17 =	sand.u32 $0x7, s17  }
0x166: {  	s17 =	sshll.u32 s17, $0x4;
	v3 =	vadd.f32 v4, v3  }
0x167: {  	s17 =	sadd.s32 $0x0, s17  }
0x168: {  	s17 =	sor.u32 $0x4380, s17;
	[tilespmem:s22+$0x4400] =	vst v3  }
0x169: {  	v3 =	vld [tilespmem:s17+$0x8100]  }
0x16a: {  	v4 =	vld [tilespmem:s17+$0x100];
	_ =	sdelay $0x1  }
0x16b: {  	s19 =	simm.s32 $0x1  }
0x16c: {  	s20 =	sand.u32 $0x7, s19  }
0x16d: {  	s21 =	simm.s32 $0x20;
	s22 =	sshll.u32 s20, $0x4;
	s20 =	simm.s32 $0x80  }
.LBB2_33:
0x16e: {  	p0 =	sne.s32 s21, $0x7F0;
	s22 =	sadd.s32 s22, s20;
	v4 =	vadd.f32 v3, v4  }
0x16f: {  	s22 =	sor.u32 $0x4380, s22  }
0x170: {  	v3 =	vld [tilespmem:s22+$0x8100];
	[tilespmem:s17+$0x100] =	vst v4;
	s17 =	smov.u32 s22  }
.Ltmp15:
0x171: {  	v4 =	vld [tilespmem:s17+$0x100];
	(pc) =	sbr.rel @p0 .LBB2_33-.Ltmp15, $4  }
0x172: {  	_ = 	snop  }
0x173: {  	s19 =	sadd.s32 $0x1, s19  }
0x174: {  	s22 =	sand.u32 $0x7, s19  }
0x175: {  	s21 =	sadd.s32 $0x10, s21;
	s20 =	sadd.s32 $0x80, s20;
	s22 =	sshll.u32 s22, $0x4  }
0x176: {  	s19 =	sadd.s32 s22, s20;
	v3 =	vadd.f32 v3, v4  }
0x177: {  	s19 =	sor.u32 $0x4380, s19  }
0x178: {  	v63 =	vld [tilespmem:s19+$0x8100];
	[tilespmem:s17+$0x100] =	vst v3  }
0x179: {  	v3 =	vld [tilespmem:s19+$0x100];
	_ =	sdelay $0x4  }
0x17a: {  	s1 =	sadd.s32 $0x1, s1;
	v3 =	vadd.f32 v63, v3  }
0x17b: {  	s2 =	sshll.u32 s2, $0x8;
	s24 =	rddreg [dreg:$0x1];
	p0 =	sne.s32 s1, $0x8  }
.Ltmp16:
0x17c: {  	s25 =	simm.s32 $0x0;
	s2 =	sadd.s32 s24, s2;
	[tilespmem:s19+$0x100] =	vst v3;
	(pc) =	sbr.rel @p0 .LBB2_2-.Ltmp16, $4  }
0x17d: {  	[hbm4b:s2+s25] =	stream.linear.scatter [tilespmem:s18], [sflag:$0x3], $0x8000, $0x38;
	[tilespmem:$0x10100] =	vst v63  }
0x17e: {  	_ =	swait.ge [sflag:s16], $0x8000  }
0x17f: {  	[sflag:s16] =	ssyncset.done $0x0  }
0x180: {  	[sflag:s16] =	ssyncadd.s32 $0xFFFF8000  }
0x181: {  	s2 =	rddreg [dreg:$0x4]  }
0x182: {  	s1 =	rddreg [dreg:$0x3];
	s2 =	sadd.s32 $0x1, s2  }
0x183: {  	p0 =	sne.s32 s2, s1  }
.Ltmp17:
0x184: {  	_ = 	snop;
	(pc) =	sbr.rel @p0 .LBB2_1-.Ltmp17, $1  }
0x185: {  	_ =	sdelay $0x3  }
0x186: {  	_ =	sfence.sel $0x180000  }
0x187: {  	[bflag:$0x0] =	sbarrier.arrive $0xFFFF  }
0x188: {  	_ =	strace $0x9000004A  }
0x189: {  	s0 =	stileid.u32;
	[bflag:$0x2] =	sbarrier.arrive $0xFFFF  }
0x18a: {  	p0 =	sne.s32 s0, $0x0;
	s0 =	rddreg [dreg:$0x2]  }
0x18b: {  	s0 =	sadd.s32 @!p0 $0x100000, s0  }
0x18c: {  	[sflag:s0] =	ssyncadd.tile.s32 @!p0 $0x1;
	_ =	shalt  }
.Lfunc_end2:
_tile_overlayer_lowered:
.L_overlay_start_2:
0x18d: {  	(tag) =	ssettag $0x2  }
0x18e: {  	s0 =	rddreg [dreg:$0x0];
	s2 =	stileid.u32  }
0x18f: {  	s1 =	rddreg [dreg:$0x1];
	p0 =	sne.s32 s2, $0x0  }
0x190: {  	s3 =	rddreg [dreg:$0x2];
	[bflag:$0x3] =	sbarrier.arrive $0xFFFF;
	s2 =	simm.s32 @!p0 $0x1C03  }
0x191: {  	[timem:s3], [sflag:s2] =	dma.local @!p0 [hbm:s0], s1  }
0x192: {  	s0 =	simm.s32 @!p0 $0x3  }
0x193: {  	_ =	swait.ge @!p0 [sflag:s0], s1  }
0x194: {  	s1 =	ssub.s32 @!p0 $0x0, s1;
	[sflag:s0] =	ssyncset.done @!p0 $0x0  }
0x195: {  	[sflag:s0] =	ssyncadd.s32 @!p0 s1  }
0x196: {  	[bflag:$0x3] =	sbarrier.arrive $0xFFFF  }
0x197: {  	_ =	shalt  }

</sc_bundles>
